<compile_context>
chip_gen: v7x
topology: tpu7x:2x2x1
jax: 0.10.2.dev20260603
libtpu: 0.0.44.dev20260713+nightly
codegen_flags: <defaults>
</compile_context>

<pallas_src>
import functools

import jax
import jax.numpy as jnp
import numpy as np
from jax import lax
from jax.experimental import pallas as pl
from jax.experimental.pallas import tpu as pltpu
from jax.experimental.pallas import tpu_sc as plsc

_B_VOCAB = 100000
_P1 = 36313
_P2 = 27191
_D = 128
_MODEL_DIM = 2048

_NC = 2
_NS = 16
_NW = _NC * _NS
_LANES = 16
_IDX_GRP = 128

_ZERO = np.int32(0)


def _sc_hash_gather(cur, prev, table, row_off, n_rows, seq_len):
    chunk = n_rows // _NW
    ngrp = chunk // _IDX_GRP
    mesh = plsc.VectorSubcoreMesh(core_axis_name="c", subcore_axis_name="s")

    @functools.partial(
        pl.kernel,
        mesh=mesh,
        out_type=jax.ShapeDtypeStruct((n_rows, _D), jnp.float32),
        scratch_types=[
            pltpu.VMEM((chunk,), jnp.int32),
            pltpu.VMEM((chunk,), jnp.int32),
            pltpu.VMEM((ngrp, _IDX_GRP), jnp.int32),
            pltpu.VMEM((chunk, _D), jnp.float32),
            pltpu.SemaphoreType.DMA,
        ],
    )
    def k(cur_hbm, prev_hbm, table_hbm, out_hbm, cur_v, prev_v, idx_v, rows_v, sem):
        wid = lax.axis_index("s") * _NC + lax.axis_index("c")
        base = wid * chunk
        pltpu.sync_copy(cur_hbm.at[pl.ds(row_off + base, chunk)], cur_v)
        pltpu.sync_copy(prev_hbm.at[pl.ds(row_off + base, chunk)], prev_v)
        lane = lax.iota(jnp.int32, _LANES)

        def hash_step(i, carry):
            off = i * _LANES
            t = cur_v[pl.ds(off, _LANES)].astype(jnp.uint32)
            p = prev_v[pl.ds(off, _LANES)].astype(jnp.uint32)
            h = ((t * _P1) % _B_VOCAB + (p * _P2) % _B_VOCAB) % _B_VOCAB
            pos = row_off + base + off + lane
            h = jnp.where((pos & (seq_len - 1)) == 0, jnp.uint32(0), h)
            idx_v[i // (_IDX_GRP // _LANES),
                  pl.ds(off % _IDX_GRP, _LANES)] = h.astype(jnp.int32)
            return carry

        lax.fori_loop(jnp.int32(0), jnp.int32(chunk // _LANES), hash_step,
                      jnp.int32(0), unroll=False)
        for j in range(ngrp):
            pltpu.async_copy(
                table_hbm.at[idx_v.at[jnp.int32(j)]],
                rows_v.at[pl.ds(j * _IDX_GRP, _IDX_GRP)],
                sem,
            ).wait()
        pltpu.sync_copy(rows_v, out_hbm.at[pl.ds(base, chunk)])

    return k(cur, prev, table)


def _mm_first_body(s_ref, x_ref, w_ref, o_ref):
    x = x_ref[...] * s_ref[0]
    o_ref[...] = lax.dot_general(
        x, w_ref[...],
        dimension_numbers=(((1,), (1,)), ((), ())),
        preferred_element_type=jnp.float32,
    )


def _mm_next_body(s_ref, x_ref, w_ref, acc_ref, o_ref):
    del acc_ref
    _mm_first_body(s_ref, x_ref, w_ref, o_ref)


def _tc_project(rows, proj_w, scale, n_tokens, blk_off, prev_out):
    blk = 1024
    grid = rows.shape[0] // blk
    in_specs = [
        pl.BlockSpec((1,), lambda i: (_ZERO,), memory_space=pltpu.SMEM),
        pl.BlockSpec((blk, _D), lambda i: (i, _ZERO)),
        pl.BlockSpec((_MODEL_DIM, _D), lambda i: (_ZERO, _ZERO)),
    ]
    args = [scale.reshape((1,)).astype(jnp.float32), rows, proj_w]
    kwargs = {}
    if prev_out is None:
        body = _mm_first_body
    else:
        body = _mm_next_body
        in_specs.append(pl.BlockSpec(memory_space=pl.ANY))
        args.append(prev_out)
        kwargs["input_output_aliases"] = {3: 0}
    return pl.pallas_call(
        body,
        grid=(grid,),
        in_specs=in_specs,
        out_specs=pl.BlockSpec((blk, _MODEL_DIM), lambda i: (i + blk_off, _ZERO)),
        out_shape=jax.ShapeDtypeStruct((n_tokens, _MODEL_DIM), jnp.float32),
        **kwargs,
    )(*args)


def kernel(token_ids, embed_table, proj_w, scale):
    b, s = token_ids.shape
    n = b * s
    flat = token_ids.reshape((n,)).astype(jnp.int32)
    prev = jnp.concatenate([jnp.zeros((1,), jnp.int32), flat[:-1]])
    n_chunks = 2
    h = n // n_chunks
    rows = [
        _sc_hash_gather(flat, prev, embed_table, c * h, h, s)
        for c in range(n_chunks)
    ]
    out = None
    for c in range(n_chunks):
        out = _tc_project(rows[c], proj_w, scale, n, c * (h // 1024), out)
    return out.reshape((b, s, _MODEL_DIM))

# --- scband reference (transcript-rebuilt; emitter-appended) ---
"""Pipeline reference for scband-bigram-hash-embedding-79809082294517 (READ-ONLY COPY).

The authoritative reference and input builder live on the scoring server;
editing this copy changes nothing except your own understanding.
"""

import jax
jax.config.update('jax_enable_x64', True)
import jax.numpy as jnp
import numpy as np

B_VOCAB = 100000
BIGRAM_DIM = 128
MODEL_DIM = 2048
P1 = 36313
P2 = 27191


def setup_inputs(seed: int = 0) -> dict:
    key = jax.random.key(seed)
    k1, k2, k3 = jax.random.split(key, 3)
    token_ids = jax.random.randint(k1, (4, 4096), 0, B_VOCAB, dtype=jnp.int64)
    # Learned params (torch inits these to zero; use small random values so the
    # computation is non-trivial and gradients are informative)
    embed_table = jax.random.normal(k2, (B_VOCAB, BIGRAM_DIM), dtype=jnp.float32) * 0.02
    proj_w = jax.random.normal(k3, (MODEL_DIM, BIGRAM_DIM), dtype=jnp.float32) * 0.02
    scale = jnp.asarray(0.05, dtype=jnp.float32)
    return {"token_ids": token_ids, "embed_table": embed_table, "proj_w": proj_w, "scale": scale}


def bigram_hash(tokens: jnp.ndarray) -> jnp.ndarray:
    t = tokens.astype(jnp.int64)
    out = jnp.zeros_like(t)
    if t.shape[-1] > 1:
        out = out.at[..., 1:].set((P1 * t[..., 1:] + P2 * t[..., :-1]) % B_VOCAB)
    return out


def reference(token_ids, embed_table, proj_w, scale):
    idx = bigram_hash(token_ids)
    h = jnp.take(embed_table, idx, axis=0)  # [B, S, bigram_dim]
    h = h @ proj_w.T                         # CastedLinear, bias=False -> [B, S, model_dim]
    return h * scale.astype(h.dtype)

if __name__ == "__main__":
    import jax
    _d = setup_inputs()
    print(jax.jit(kernel)(*tuple(_d.values())))

</pallas_src>

<mosaic_0001>
#map = affine_map<(d0, d1) -> (0)>
#map1 = affine_map<(d0, d1) -> (0, 0)>
module attributes {stable_mosaic.version = 14 : i64} {
  func.func @k(%arg0: i32, %arg1: i32, %arg2: memref<16384xi32, #tpu.memory_space<hbm>>, %arg3: memref<16384xi32, #tpu.memory_space<hbm>>, %arg4: memref<100000x128xf32, #tpu.memory_space<hbm>>, %arg5: memref<8192x128xf32, #tpu.memory_space<hbm>>, %arg6: memref<256xi32, #tpu.memory_space<vmem>>, %arg7: memref<256xi32, #tpu.memory_space<vmem>>, %arg8: memref<2x128xi32, #tpu.memory_space<vmem>>, %arg9: memref<256x128xf32, #tpu.memory_space<vmem>>, %arg10: memref<!tpu.dma_semaphore, #tpu.memory_space<semaphore_mem>>) attributes {dimension_semantics = [#tpu.dimension_semantics<core_parallel>, #tpu.dimension_semantics<subcore_parallel>], iteration_bounds = array<i64: 2, 16>, scalar_prefetch = 0 : i64, scratch_operands = 5 : i64, tpu.core_type = #tpu.core_type<sc_vector_subcore>, window_params = [{transform_indices = #map}, {transform_indices = #map}, {transform_indices = #map1}, {transform_indices = #map1}]} {
    %mul3A = arith.constant 2 : i32
    %mul3A_0 = arith.muli %arg1, %mul3A : i32
    %add3A = arith.addi %mul3A_0, %arg0 : i32
    %mul3A_1 = arith.constant 256 : i32
    %mul3A_2 = arith.muli %add3A, %mul3A_1 : i32
    %add3A_3 = arith.constant 8192 : i32
    %add3A_4 = arith.addi %add3A_3, %mul3A_2 : i32
    "tpu.region"() ({
      %run_scoped3A = tpu.sem_alloc : memref<!tpu.dma_semaphore, #tpu.memory_space<semaphore_mem>>
      %dma_start3A_55 = tpu.memref_slice %arg2[%add3A_4] : memref<16384xi32, #tpu.memory_space<hbm>> -> memref<256xi32, #tpu.memory_space<hbm>>
      %dma_start3A_56 = tpu.memref_slice %arg2[%add3A_4] : memref<16384xi32, #tpu.memory_space<hbm>> -> memref<256xi32, #tpu.memory_space<hbm>>
      tpu.enqueue_dma source(%dma_start3A_56 : memref<256xi32, #tpu.memory_space<hbm>>) target(%arg6 : memref<256xi32, #tpu.memory_space<vmem>>) target_semaphore(%run_scoped3A : memref<!tpu.dma_semaphore, #tpu.memory_space<semaphore_mem>>)
      %dma_wait3A_57 = tpu.memref_slice %arg2[%add3A_4] : memref<16384xi32, #tpu.memory_space<hbm>> -> memref<256xi32, #tpu.memory_space<hbm>>
      %dma_wait3A_58 = tpu.memref_slice %arg2[%add3A_4] : memref<16384xi32, #tpu.memory_space<hbm>> -> memref<256xi32, #tpu.memory_space<hbm>>
      tpu.wait_dma2 semaphore(%run_scoped3A : memref<!tpu.dma_semaphore, #tpu.memory_space<semaphore_mem>>) src(%dma_wait3A_58 : memref<256xi32, #tpu.memory_space<hbm>>) dst(%arg6 : memref<256xi32, #tpu.memory_space<vmem>>)
      tpu.yield
    }) : () -> ()
    %add3A_5 = arith.constant 8192 : i32
    %add3A_6 = arith.addi %add3A_5, %mul3A_2 : i32
    "tpu.region"() ({
      %run_scoped3A = tpu.sem_alloc : memref<!tpu.dma_semaphore, #tpu.memory_space<semaphore_mem>>
      %dma_start3A_55 = tpu.memref_slice %arg3[%add3A_6] : memref<16384xi32, #tpu.memory_space<hbm>> -> memref<256xi32, #tpu.memory_space<hbm>>
      %dma_start3A_56 = tpu.memref_slice %arg3[%add3A_6] : memref<16384xi32, #tpu.memory_space<hbm>> -> memref<256xi32, #tpu.memory_space<hbm>>
      tpu.enqueue_dma source(%dma_start3A_56 : memref<256xi32, #tpu.memory_space<hbm>>) target(%arg7 : memref<256xi32, #tpu.memory_space<vmem>>) target_semaphore(%run_scoped3A : memref<!tpu.dma_semaphore, #tpu.memory_space<semaphore_mem>>)
      %dma_wait3A_57 = tpu.memref_slice %arg3[%add3A_6] : memref<16384xi32, #tpu.memory_space<hbm>> -> memref<256xi32, #tpu.memory_space<hbm>>
      %dma_wait3A_58 = tpu.memref_slice %arg3[%add3A_6] : memref<16384xi32, #tpu.memory_space<hbm>> -> memref<256xi32, #tpu.memory_space<hbm>>
      tpu.wait_dma2 semaphore(%run_scoped3A : memref<!tpu.dma_semaphore, #tpu.memory_space<semaphore_mem>>) src(%dma_wait3A_58 : memref<256xi32, #tpu.memory_space<hbm>>) dst(%arg7 : memref<256xi32, #tpu.memory_space<vmem>>)
      tpu.yield
    }) : () -> ()
    %iota3A = tpu.iota {dimensions = array<i32: 0>} : vector<16xi32>
    %while3A = arith.constant 0 : i32
    %while3A_7 = arith.constant 0 : i32
    %while3A_8 = arith.constant 16 : i32
    %while3A_9 = arith.subi %while3A_8, %while3A_7 : i32
    %while3A_10 = arith.addi %while3A_7, %while3A_9 : i32
    %while3A_11 = arith.constant 1 : i32
    %while3A_12 = arith.divsi %while3A_9, %while3A_11 : i32
    %while3A_13 = arith.muli %while3A_12, %while3A_11 : i32
    %while3A_14 = arith.addi %while3A_7, %while3A_13 : i32
    %while3A_15 = arith.constant 1 : i32
    scf.for %while3A_55 = %while3A_7 to %while3A_14 step %while3A_15  : i32 {
      %mul3A_56 = arith.constant 16 : i32
      %mul3A_57 = arith.muli %while3A_55, %mul3A_56 : i32
      %get3A = arith.index_cast %mul3A_57 : i32 to index
      %get3A_58 = tpu.vector_load %arg6[%get3A] {strides = array<i32>} : memref<256xi32, #tpu.memory_space<vmem>>, vector<16xi32>,
      %get3A_59 = vector.shape_cast %get3A_58 : vector<16xi32> to vector<16xi32>
      %get3A_60 = arith.index_cast %mul3A_57 : i32 to index
      %get3A_61 = tpu.vector_load %arg7[%get3A_60] {strides = array<i32>} : memref<256xi32, #tpu.memory_space<vmem>>, vector<16xi32>,
      %get3A_62 = vector.shape_cast %get3A_61 : vector<16xi32> to vector<16xi32>
      %mul3A_63 = arith.constant 36313 : i32
      %mul3A_64 = vector.broadcast %mul3A_63 : i32 to vector<16xi32>
      %mul3A_65 = arith.muli %get3A_59, %mul3A_64 : vector<16xi32>
      %jit3A = arith.constant 100000 : i64
      %convert_element_type3A = arith.trunci %jit3A : i64 to i32
      %eq3A = arith.constant 0 : i32
      %eq3A_66 = arith.cmpi eq, %convert_element_type3A, %eq3A : i32
      %jit3A_67 = arith.constant 1 : i32
      %select_n3A = arith.select %eq3A_66, %jit3A_67, %convert_element_type3A : i32
      %rem3A = vector.broadcast %select_n3A : i32 to vector<16xi32>
      %rem3A_68 = arith.remui %mul3A_65, %rem3A : vector<16xi32>
      %ne3A = arith.constant 0 : i32
      %ne3A_69 = vector.broadcast %ne3A : i32 to vector<16xi32>
      %ne3A_70 = arith.cmpi ne, %rem3A_68, %ne3A_69 : vector<16xi32>
      %lt3A = arith.constant 0 : i32
      %lt3A_71 = vector.broadcast %lt3A : i32 to vector<16xi32>
      %lt3A_72 = arith.cmpi ult, %rem3A_68, %lt3A_71 : vector<16xi32>
      %lt3A_73 = arith.constant 0 : i32
      %lt3A_74 = arith.cmpi ult, %select_n3A, %lt3A_73 : i32
      %ne3A_75 = vector.broadcast %lt3A_74 : i1 to vector<16xi1>
      %ne3A_76 = vector.broadcast %ne3A_75 : vector<16xi1> to vector<16xi1>
      %ne3A_77 = arith.xori %lt3A_72, %ne3A_76 : vector<16xi1>
      %and3A = arith.andi %ne3A_77, %ne3A_70 : vector<16xi1>
      %add3A_78 = vector.broadcast %select_n3A : i32 to vector<16xi32>
      %add3A_79 = arith.addi %rem3A_68, %add3A_78 : vector<16xi32>
      %select_n3A_80 = arith.select %and3A, %add3A_79, %rem3A_68 : vector<16xi1>, vector<16xi32>
      %mul3A_81 = arith.constant 27191 : i32
      %mul3A_82 = vector.broadcast %mul3A_81 : i32 to vector<16xi32>
      %mul3A_83 = arith.muli %get3A_62, %mul3A_82 : vector<16xi32>
      %jit3A_84 = arith.constant 100000 : i64
      %convert_element_type3A_85 = arith.trunci %jit3A_84 : i64 to i32
      %eq3A_86 = arith.constant 0 : i32
      %eq3A_87 = arith.cmpi eq, %convert_element_type3A_85, %eq3A_86 : i32
      %jit3A_88 = arith.constant 1 : i32
      %select_n3A_89 = arith.select %eq3A_87, %jit3A_88, %convert_element_type3A_85 : i32
      %rem3A_90 = vector.broadcast %select_n3A_89 : i32 to vector<16xi32>
      %rem3A_91 = arith.remui %mul3A_83, %rem3A_90 : vector<16xi32>
      %ne3A_92 = arith.constant 0 : i32
      %ne3A_93 = vector.broadcast %ne3A_92 : i32 to vector<16xi32>
      %ne3A_94 = arith.cmpi ne, %rem3A_91, %ne3A_93 : vector<16xi32>
      %lt3A_95 = arith.constant 0 : i32
      %lt3A_96 = vector.broadcast %lt3A_95 : i32 to vector<16xi32>
      %lt3A_97 = arith.cmpi ult, %rem3A_91, %lt3A_96 : vector<16xi32>
      %lt3A_98 = arith.constant 0 : i32
      %lt3A_99 = arith.cmpi ult, %select_n3A_89, %lt3A_98 : i32
      %ne3A_100 = vector.broadcast %lt3A_99 : i1 to vector<16xi1>
      %ne3A_101 = vector.broadcast %ne3A_100 : vector<16xi1> to vector<16xi1>
      %ne3A_102 = arith.xori %lt3A_97, %ne3A_101 : vector<16xi1>
      %and3A_103 = arith.andi %ne3A_102, %ne3A_94 : vector<16xi1>
      %add3A_104 = vector.broadcast %select_n3A_89 : i32 to vector<16xi32>
      %add3A_105 = arith.addi %rem3A_91, %add3A_104 : vector<16xi32>
      %select_n3A_106 = arith.select %and3A_103, %add3A_105, %rem3A_91 : vector<16xi1>, vector<16xi32>
      %add3A_107 = arith.addi %select_n3A_80, %select_n3A_106 : vector<16xi32>
      %jit3A_108 = arith.constant 100000 : i64
      %convert_element_type3A_109 = arith.trunci %jit3A_108 : i64 to i32
      %eq3A_110 = arith.constant 0 : i32
      %eq3A_111 = arith.cmpi eq, %convert_element_type3A_109, %eq3A_110 : i32
      %jit3A_112 = arith.constant 1 : i32
      %select_n3A_113 = arith.select %eq3A_111, %jit3A_112, %convert_element_type3A_109 : i32
      %rem3A_114 = vector.broadcast %select_n3A_113 : i32 to vector<16xi32>
      %rem3A_115 = arith.remui %add3A_107, %rem3A_114 : vector<16xi32>
      %ne3A_116 = arith.constant 0 : i32
      %ne3A_117 = vector.broadcast %ne3A_116 : i32 to vector<16xi32>
      %ne3A_118 = arith.cmpi ne, %rem3A_115, %ne3A_117 : vector<16xi32>
      %lt3A_119 = arith.constant 0 : i32
      %lt3A_120 = vector.broadcast %lt3A_119 : i32 to vector<16xi32>
      %lt3A_121 = arith.cmpi ult, %rem3A_115, %lt3A_120 : vector<16xi32>
      %lt3A_122 = arith.constant 0 : i32
      %lt3A_123 = arith.cmpi ult, %select_n3A_113, %lt3A_122 : i32
      %ne3A_124 = vector.broadcast %lt3A_123 : i1 to vector<16xi1>
      %ne3A_125 = vector.broadcast %ne3A_124 : vector<16xi1> to vector<16xi1>
      %ne3A_126 = arith.xori %lt3A_121, %ne3A_125 : vector<16xi1>
      %and3A_127 = arith.andi %ne3A_126, %ne3A_118 : vector<16xi1>
      %add3A_128 = vector.broadcast %select_n3A_113 : i32 to vector<16xi32>
      %add3A_129 = arith.addi %rem3A_115, %add3A_128 : vector<16xi32>
      %select_n3A_130 = arith.select %and3A_127, %add3A_129, %rem3A_115 : vector<16xi1>, vector<16xi32>
      %add3A_131 = arith.constant 8192 : i32
      %add3A_132 = arith.addi %add3A_131, %mul3A_2 : i32
      %add3A_133 = arith.addi %add3A_132, %mul3A_57 : i32
      %add3A_134 = vector.broadcast %add3A_133 : i32 to vector<16xi32>
      %add3A_135 = arith.addi %add3A_134, %iota3A : vector<16xi32>
      %and3A_136 = arith.constant 4095 : i32
      %and3A_137 = vector.broadcast %and3A_136 : i32 to vector<16xi32>
      %and3A_138 = arith.andi %add3A_135, %and3A_137 : vector<16xi32>
      %eq3A_139 = arith.constant 0 : i32
      %eq3A_140 = vector.broadcast %eq3A_139 : i32 to vector<16xi32>
      %eq3A_141 = arith.cmpi eq, %and3A_138, %eq3A_140 : vector<16xi32>
      %jit3A_142 = arith.constant 0 : i32
      %broadcast_in_dim3A = vector.broadcast %jit3A_142 : i32 to vector<16xi32>
      %select_n3A_143 = arith.select %eq3A_141, %broadcast_in_dim3A, %select_n3A_130 : vector<16xi1>, vector<16xi32>
      %jit3A_144 = arith.constant 8 : i64
      %convert_element_type3A_145 = arith.trunci %jit3A_144 : i64 to i32
      %div3A = arith.divsi %while3A_55, %convert_element_type3A_145 : i32
      %sign3A = arith.constant 0 : i32
      %sign3A_146 = arith.cmpi sgt, %while3A_55, %sign3A : i32
      %sign3A_147 = arith.extui %sign3A_146 : i1 to i32
      %sign3A_148 = arith.constant 0 : i32
      %sign3A_149 = arith.cmpi slt, %while3A_55, %sign3A_148 : i32
      %sign3A_150 = arith.extui %sign3A_149 : i1 to i32
      %sign3A_151 = arith.subi %sign3A_147, %sign3A_150 : i32
      %sign3A_152 = arith.constant 0 : i32
      %sign3A_153 = arith.cmpi sgt, %convert_element_type3A_145, %sign3A_152 : i32
      %sign3A_154 = arith.extui %sign3A_153 : i1 to i32
      %sign3A_155 = arith.constant 0 : i32
      %sign3A_156 = arith.cmpi slt, %convert_element_type3A_145, %sign3A_155 : i32
      %sign3A_157 = arith.extui %sign3A_156 : i1 to i32
      %sign3A_158 = arith.subi %sign3A_154, %sign3A_157 : i32
      %ne3A_159 = arith.cmpi ne, %sign3A_151, %sign3A_158 : i32
      %rem3A_160 = arith.remsi %while3A_55, %convert_element_type3A_145 : i32
      %ne3A_161 = arith.constant 0 : i32
      %ne3A_162 = arith.cmpi ne, %rem3A_160, %ne3A_161 : i32
      %and3A_163 = arith.andi %ne3A_159, %ne3A_162 : i1
      %sub3A = arith.constant 1 : i32
      %sub3A_164 = arith.subi %div3A, %sub3A : i32
      %select_n3A_165 = arith.select %and3A_163, %sub3A_164, %div3A : i32
      %jit3A_166 = arith.constant 128 : i64
      %convert_element_type3A_167 = arith.trunci %jit3A_166 : i64 to i32
      %eq3A_168 = arith.constant 0 : i32
      %eq3A_169 = arith.cmpi eq, %convert_element_type3A_167, %eq3A_168 : i32
      %jit3A_170 = arith.constant 1 : i32
      %select_n3A_171 = arith.select %eq3A_169, %jit3A_170, %convert_element_type3A_167 : i32
      %rem3A_172 = arith.remsi %mul3A_57, %select_n3A_171 : i32
      %ne3A_173 = arith.constant 0 : i32
      %ne3A_174 = arith.cmpi ne, %rem3A_172, %ne3A_173 : i32
      %lt3A_175 = arith.constant 0 : i32
      %lt3A_176 = arith.cmpi slt, %rem3A_172, %lt3A_175 : i32
      %lt3A_177 = arith.constant 0 : i32
      %lt3A_178 = arith.cmpi slt, %select_n3A_171, %lt3A_177 : i32
      %ne3A_179 = arith.xori %lt3A_176, %lt3A_178 : i1
      %and3A_180 = arith.andi %ne3A_179, %ne3A_174 : i1
      %add3A_181 = arith.addi %rem3A_172, %select_n3A_171 : i32
      %select_n3A_182 = arith.select %and3A_180, %add3A_181, %rem3A_172 : i32
      %swap3A = arith.index_cast %select_n3A_165 : i32 to index
      %swap3A_183 = arith.index_cast %select_n3A_182 : i32 to index
      %swap3A_184 = tpu.vector_load %arg8[%swap3A, %swap3A_183] {strides = array<i32>} : memref<2x128xi32, #tpu.memory_space<vmem>>, vector<1x16xi32>,
      %swap3A_185 = vector.shape_cast %swap3A_184 : vector<1x16xi32> to vector<16xi32>
      %swap3A_186 = vector.shape_cast %select_n3A_143 : vector<16xi32> to vector<1x16xi32>
      tpu.vector_store %arg8[%swap3A, %swap3A_183], %swap3A_186 {strides = array<i32>} : memref<2x128xi32, #tpu.memory_space<vmem>>, vector<1x16xi32>,
    }
    %while3A_16 = arith.constant 1 : i32
    scf.for %while3A_55 = %while3A_14 to %while3A_10 step %while3A_16  : i32 {
      %mul3A_56 = arith.constant 16 : i32
      %mul3A_57 = arith.muli %while3A_55, %mul3A_56 : i32
      %get3A = arith.index_cast %mul3A_57 : i32 to index
      %get3A_58 = tpu.vector_load %arg6[%get3A] {strides = array<i32>} : memref<256xi32, #tpu.memory_space<vmem>>, vector<16xi32>,
      %get3A_59 = vector.shape_cast %get3A_58 : vector<16xi32> to vector<16xi32>
      %get3A_60 = arith.index_cast %mul3A_57 : i32 to index
      %get3A_61 = tpu.vector_load %arg7[%get3A_60] {strides = array<i32>} : memref<256xi32, #tpu.memory_space<vmem>>, vector<16xi32>,
      %get3A_62 = vector.shape_cast %get3A_61 : vector<16xi32> to vector<16xi32>
      %mul3A_63 = arith.constant 36313 : i32
      %mul3A_64 = vector.broadcast %mul3A_63 : i32 to vector<16xi32>
      %mul3A_65 = arith.muli %get3A_59, %mul3A_64 : vector<16xi32>
      %jit3A = arith.constant 100000 : i64
      %convert_element_type3A = arith.trunci %jit3A : i64 to i32
      %eq3A = arith.constant 0 : i32
      %eq3A_66 = arith.cmpi eq, %convert_element_type3A, %eq3A : i32
      %jit3A_67 = arith.constant 1 : i32
      %select_n3A = arith.select %eq3A_66, %jit3A_67, %convert_element_type3A : i32
      %rem3A = vector.broadcast %select_n3A : i32 to vector<16xi32>
      %rem3A_68 = arith.remui %mul3A_65, %rem3A : vector<16xi32>
      %ne3A = arith.constant 0 : i32
      %ne3A_69 = vector.broadcast %ne3A : i32 to vector<16xi32>
      %ne3A_70 = arith.cmpi ne, %rem3A_68, %ne3A_69 : vector<16xi32>
      %lt3A = arith.constant 0 : i32
      %lt3A_71 = vector.broadcast %lt3A : i32 to vector<16xi32>
      %lt3A_72 = arith.cmpi ult, %rem3A_68, %lt3A_71 : vector<16xi32>
      %lt3A_73 = arith.constant 0 : i32
      %lt3A_74 = arith.cmpi ult, %select_n3A, %lt3A_73 : i32
      %ne3A_75 = vector.broadcast %lt3A_74 : i1 to vector<16xi1>
      %ne3A_76 = vector.broadcast %ne3A_75 : vector<16xi1> to vector<16xi1>
      %ne3A_77 = arith.xori %lt3A_72, %ne3A_76 : vector<16xi1>
      %and3A = arith.andi %ne3A_77, %ne3A_70 : vector<16xi1>
      %add3A_78 = vector.broadcast %select_n3A : i32 to vector<16xi32>
      %add3A_79 = arith.addi %rem3A_68, %add3A_78 : vector<16xi32>
      %select_n3A_80 = arith.select %and3A, %add3A_79, %rem3A_68 : vector<16xi1>, vector<16xi32>
      %mul3A_81 = arith.constant 27191 : i32
      %mul3A_82 = vector.broadcast %mul3A_81 : i32 to vector<16xi32>
      %mul3A_83 = arith.muli %get3A_62, %mul3A_82 : vector<16xi32>
      %jit3A_84 = arith.constant 100000 : i64
      %convert_element_type3A_85 = arith.trunci %jit3A_84 : i64 to i32
      %eq3A_86 = arith.constant 0 : i32
      %eq3A_87 = arith.cmpi eq, %convert_element_type3A_85, %eq3A_86 : i32
      %jit3A_88 = arith.constant 1 : i32
      %select_n3A_89 = arith.select %eq3A_87, %jit3A_88, %convert_element_type3A_85 : i32
      %rem3A_90 = vector.broadcast %select_n3A_89 : i32 to vector<16xi32>
      %rem3A_91 = arith.remui %mul3A_83, %rem3A_90 : vector<16xi32>
      %ne3A_92 = arith.constant 0 : i32
      %ne3A_93 = vector.broadcast %ne3A_92 : i32 to vector<16xi32>
      %ne3A_94 = arith.cmpi ne, %rem3A_91, %ne3A_93 : vector<16xi32>
      %lt3A_95 = arith.constant 0 : i32
      %lt3A_96 = vector.broadcast %lt3A_95 : i32 to vector<16xi32>
      %lt3A_97 = arith.cmpi ult, %rem3A_91, %lt3A_96 : vector<16xi32>
      %lt3A_98 = arith.constant 0 : i32
      %lt3A_99 = arith.cmpi ult, %select_n3A_89, %lt3A_98 : i32
      %ne3A_100 = vector.broadcast %lt3A_99 : i1 to vector<16xi1>
      %ne3A_101 = vector.broadcast %ne3A_100 : vector<16xi1> to vector<16xi1>
      %ne3A_102 = arith.xori %lt3A_97, %ne3A_101 : vector<16xi1>
      %and3A_103 = arith.andi %ne3A_102, %ne3A_94 : vector<16xi1>
      %add3A_104 = vector.broadcast %select_n3A_89 : i32 to vector<16xi32>
      %add3A_105 = arith.addi %rem3A_91, %add3A_104 : vector<16xi32>
      %select_n3A_106 = arith.select %and3A_103, %add3A_105, %rem3A_91 : vector<16xi1>, vector<16xi32>
      %add3A_107 = arith.addi %select_n3A_80, %select_n3A_106 : vector<16xi32>
      %jit3A_108 = arith.constant 100000 : i64
      %convert_element_type3A_109 = arith.trunci %jit3A_108 : i64 to i32
      %eq3A_110 = arith.constant 0 : i32
      %eq3A_111 = arith.cmpi eq, %convert_element_type3A_109, %eq3A_110 : i32
      %jit3A_112 = arith.constant 1 : i32
      %select_n3A_113 = arith.select %eq3A_111, %jit3A_112, %convert_element_type3A_109 : i32
      %rem3A_114 = vector.broadcast %select_n3A_113 : i32 to vector<16xi32>
      %rem3A_115 = arith.remui %add3A_107, %rem3A_114 : vector<16xi32>
      %ne3A_116 = arith.constant 0 : i32
      %ne3A_117 = vector.broadcast %ne3A_116 : i32 to vector<16xi32>
      %ne3A_118 = arith.cmpi ne, %rem3A_115, %ne3A_117 : vector<16xi32>
      %lt3A_119 = arith.constant 0 : i32
      %lt3A_120 = vector.broadcast %lt3A_119 : i32 to vector<16xi32>
      %lt3A_121 = arith.cmpi ult, %rem3A_115, %lt3A_120 : vector<16xi32>
      %lt3A_122 = arith.constant 0 : i32
      %lt3A_123 = arith.cmpi ult, %select_n3A_113, %lt3A_122 : i32
      %ne3A_124 = vector.broadcast %lt3A_123 : i1 to vector<16xi1>
      %ne3A_125 = vector.broadcast %ne3A_124 : vector<16xi1> to vector<16xi1>
      %ne3A_126 = arith.xori %lt3A_121, %ne3A_125 : vector<16xi1>
      %and3A_127 = arith.andi %ne3A_126, %ne3A_118 : vector<16xi1>
      %add3A_128 = vector.broadcast %select_n3A_113 : i32 to vector<16xi32>
      %add3A_129 = arith.addi %rem3A_115, %add3A_128 : vector<16xi32>
      %select_n3A_130 = arith.select %and3A_127, %add3A_129, %rem3A_115 : vector<16xi1>, vector<16xi32>
      %add3A_131 = arith.constant 8192 : i32
      %add3A_132 = arith.addi %add3A_131, %mul3A_2 : i32
      %add3A_133 = arith.addi %add3A_132, %mul3A_57 : i32
      %add3A_134 = vector.broadcast %add3A_133 : i32 to vector<16xi32>
      %add3A_135 = arith.addi %add3A_134, %iota3A : vector<16xi32>
      %and3A_136 = arith.constant 4095 : i32
      %and3A_137 = vector.broadcast %and3A_136 : i32 to vector<16xi32>
      %and3A_138 = arith.andi %add3A_135, %and3A_137 : vector<16xi32>
      %eq3A_139 = arith.constant 0 : i32
      %eq3A_140 = vector.broadcast %eq3A_139 : i32 to vector<16xi32>
      %eq3A_141 = arith.cmpi eq, %and3A_138, %eq3A_140 : vector<16xi32>
      %jit3A_142 = arith.constant 0 : i32
      %broadcast_in_dim3A = vector.broadcast %jit3A_142 : i32 to vector<16xi32>
      %select_n3A_143 = arith.select %eq3A_141, %broadcast_in_dim3A, %select_n3A_130 : vector<16xi1>, vector<16xi32>
      %jit3A_144 = arith.constant 8 : i64
      %convert_element_type3A_145 = arith.trunci %jit3A_144 : i64 to i32
      %div3A = arith.divsi %while3A_55, %convert_element_type3A_145 : i32
      %sign3A = arith.constant 0 : i32
      %sign3A_146 = arith.cmpi sgt, %while3A_55, %sign3A : i32
      %sign3A_147 = arith.extui %sign3A_146 : i1 to i32
      %sign3A_148 = arith.constant 0 : i32
      %sign3A_149 = arith.cmpi slt, %while3A_55, %sign3A_148 : i32
      %sign3A_150 = arith.extui %sign3A_149 : i1 to i32
      %sign3A_151 = arith.subi %sign3A_147, %sign3A_150 : i32
      %sign3A_152 = arith.constant 0 : i32
      %sign3A_153 = arith.cmpi sgt, %convert_element_type3A_145, %sign3A_152 : i32
      %sign3A_154 = arith.extui %sign3A_153 : i1 to i32
      %sign3A_155 = arith.constant 0 : i32
      %sign3A_156 = arith.cmpi slt, %convert_element_type3A_145, %sign3A_155 : i32
      %sign3A_157 = arith.extui %sign3A_156 : i1 to i32
      %sign3A_158 = arith.subi %sign3A_154, %sign3A_157 : i32
      %ne3A_159 = arith.cmpi ne, %sign3A_151, %sign3A_158 : i32
      %rem3A_160 = arith.remsi %while3A_55, %convert_element_type3A_145 : i32
      %ne3A_161 = arith.constant 0 : i32
      %ne3A_162 = arith.cmpi ne, %rem3A_160, %ne3A_161 : i32
      %and3A_163 = arith.andi %ne3A_159, %ne3A_162 : i1
      %sub3A = arith.constant 1 : i32
      %sub3A_164 = arith.subi %div3A, %sub3A : i32
      %select_n3A_165 = arith.select %and3A_163, %sub3A_164, %div3A : i32
      %jit3A_166 = arith.constant 128 : i64
      %convert_element_type3A_167 = arith.trunci %jit3A_166 : i64 to i32
      %eq3A_168 = arith.constant 0 : i32
      %eq3A_169 = arith.cmpi eq, %convert_element_type3A_167, %eq3A_168 : i32
      %jit3A_170 = arith.constant 1 : i32
      %select_n3A_171 = arith.select %eq3A_169, %jit3A_170, %convert_element_type3A_167 : i32
      %rem3A_172 = arith.remsi %mul3A_57, %select_n3A_171 : i32
      %ne3A_173 = arith.constant 0 : i32
      %ne3A_174 = arith.cmpi ne, %rem3A_172, %ne3A_173 : i32
      %lt3A_175 = arith.constant 0 : i32
      %lt3A_176 = arith.cmpi slt, %rem3A_172, %lt3A_175 : i32
      %lt3A_177 = arith.constant 0 : i32
      %lt3A_178 = arith.cmpi slt, %select_n3A_171, %lt3A_177 : i32
      %ne3A_179 = arith.xori %lt3A_176, %lt3A_178 : i1
      %and3A_180 = arith.andi %ne3A_179, %ne3A_174 : i1
      %add3A_181 = arith.addi %rem3A_172, %select_n3A_171 : i32
      %select_n3A_182 = arith.select %and3A_180, %add3A_181, %rem3A_172 : i32
      %swap3A = arith.index_cast %select_n3A_165 : i32 to index
      %swap3A_183 = arith.index_cast %select_n3A_182 : i32 to index
      %swap3A_184 = tpu.vector_load %arg8[%swap3A, %swap3A_183] {strides = array<i32>} : memref<2x128xi32, #tpu.memory_space<vmem>>, vector<1x16xi32>,
      %swap3A_185 = vector.shape_cast %swap3A_184 : vector<1x16xi32> to vector<16xi32>
      %swap3A_186 = vector.shape_cast %select_n3A_143 : vector<16xi32> to vector<1x16xi32>
      tpu.vector_store %arg8[%swap3A, %swap3A_183], %swap3A_186 {strides = array<i32>} : memref<2x128xi32, #tpu.memory_space<vmem>>, vector<1x16xi32>,
    }
    %dma_start3A = arith.constant 0 : i32
    %dma_start3A_17 = arith.constant 0 : i32
    %dma_start3A_18 = arith.constant 0 : i32
    %dma_start3A_19 = tpu.memref_slice %arg9[%dma_start3A_17, %dma_start3A_18] : memref<256x128xf32, #tpu.memory_space<vmem>> -> memref<128x128xf32, #tpu.memory_space<vmem>>
    %dma_start3A_20 = arith.constant 0 : i32
    %dma_start3A_21 = tpu.memref_slice %arg8[%dma_start3A, %dma_start3A_20] : memref<2x128xi32, #tpu.memory_space<vmem>> -> memref<1x128xi32, #tpu.memory_space<vmem>>
    %dma_start3A_22 = tpu.memref_squeeze %dma_start3A_21 : memref<1x128xi32, #tpu.memory_space<vmem>> -> memref<128xi32, #tpu.memory_space<vmem>>
    %dma_start3A_23 = arith.constant 0 : i32
    %dma_start3A_24 = arith.constant 0 : i32
    %dma_start3A_25 = tpu.memref_slice %arg4[%dma_start3A_23, %dma_start3A_24] : memref<100000x128xf32, #tpu.memory_space<hbm>> -> memref<100000x128xf32, #tpu.memory_space<hbm>>
    tpu.enqueue_indirect_dma source(%dma_start3A_25 : memref<100000x128xf32, #tpu.memory_space<hbm>>) target(%dma_start3A_19 : memref<128x128xf32, #tpu.memory_space<vmem>>) offsets(%dma_start3A_22 : memref<128xi32, #tpu.memory_space<vmem>>) semaphore(%arg10 : memref<!tpu.dma_semaphore, #tpu.memory_space<semaphore_mem>>)
    %dma_wait3A = arith.constant 0 : i32
    %dma_wait3A_26 = arith.constant 0 : i32
    %dma_wait3A_27 = arith.constant 0 : i32
    %dma_wait3A_28 = tpu.memref_slice %arg9[%dma_wait3A_26, %dma_wait3A_27] : memref<256x128xf32, #tpu.memory_space<vmem>> -> memref<128x128xf32, #tpu.memory_space<vmem>>
    %dma_wait3A_29 = arith.constant 0 : i32
    %dma_wait3A_30 = tpu.memref_slice %arg8[%dma_wait3A, %dma_wait3A_29] : memref<2x128xi32, #tpu.memory_space<vmem>> -> memref<1x128xi32, #tpu.memory_space<vmem>>
    %dma_wait3A_31 = tpu.memref_squeeze %dma_wait3A_30 : memref<1x128xi32, #tpu.memory_space<vmem>> -> memref<128xi32, #tpu.memory_space<vmem>>
    %dma_wait3A_32 = arith.constant 0 : i32
    %dma_wait3A_33 = arith.constant 0 : i32
    %dma_wait3A_34 = tpu.memref_slice %arg4[%dma_wait3A_32, %dma_wait3A_33] : memref<100000x128xf32, #tpu.memory_space<hbm>> -> memref<100000x128xf32, #tpu.memory_space<hbm>>
    tpu.wait_indirect_dma semaphore(%arg10 : memref<!tpu.dma_semaphore, #tpu.memory_space<semaphore_mem>>) src(%dma_wait3A_34 : memref<100000x128xf32, #tpu.memory_space<hbm>>) dst(%dma_wait3A_28 : memref<128x128xf32, #tpu.memory_space<vmem>>)
    %dma_start3A_35 = arith.constant 1 : i32
    %dma_start3A_36 = arith.constant 128 : i32
    %dma_start3A_37 = arith.constant 0 : i32
    %dma_start3A_38 = tpu.memref_slice %arg9[%dma_start3A_36, %dma_start3A_37] : memref<256x128xf32, #tpu.memory_space<vmem>> -> memref<128x128xf32, #tpu.memory_space<vmem>>
    %dma_start3A_39 = arith.constant 0 : i32
    %dma_start3A_40 = tpu.memref_slice %arg8[%dma_start3A_35, %dma_start3A_39] : memref<2x128xi32, #tpu.memory_space<vmem>> -> memref<1x128xi32, #tpu.memory_space<vmem>>
    %dma_start3A_41 = tpu.memref_squeeze %dma_start3A_40 : memref<1x128xi32, #tpu.memory_space<vmem>> -> memref<128xi32, #tpu.memory_space<vmem>>
    %dma_start3A_42 = arith.constant 0 : i32
    %dma_start3A_43 = arith.constant 0 : i32
    %dma_start3A_44 = tpu.memref_slice %arg4[%dma_start3A_42, %dma_start3A_43] : memref<100000x128xf32, #tpu.memory_space<hbm>> -> memref<100000x128xf32, #tpu.memory_space<hbm>>
    tpu.enqueue_indirect_dma source(%dma_start3A_44 : memref<100000x128xf32, #tpu.memory_space<hbm>>) target(%dma_start3A_38 : memref<128x128xf32, #tpu.memory_space<vmem>>) offsets(%dma_start3A_41 : memref<128xi32, #tpu.memory_space<vmem>>) semaphore(%arg10 : memref<!tpu.dma_semaphore, #tpu.memory_space<semaphore_mem>>)
    %dma_wait3A_45 = arith.constant 1 : i32
    %dma_wait3A_46 = arith.constant 128 : i32
    %dma_wait3A_47 = arith.constant 0 : i32
    %dma_wait3A_48 = tpu.memref_slice %arg9[%dma_wait3A_46, %dma_wait3A_47] : memref<256x128xf32, #tpu.memory_space<vmem>> -> memref<128x128xf32, #tpu.memory_space<vmem>>
    %dma_wait3A_49 = arith.constant 0 : i32
    %dma_wait3A_50 = tpu.memref_slice %arg8[%dma_wait3A_45, %dma_wait3A_49] : memref<2x128xi32, #tpu.memory_space<vmem>> -> memref<1x128xi32, #tpu.memory_space<vmem>>
    %dma_wait3A_51 = tpu.memref_squeeze %dma_wait3A_50 : memref<1x128xi32, #tpu.memory_space<vmem>> -> memref<128xi32, #tpu.memory_space<vmem>>
    %dma_wait3A_52 = arith.constant 0 : i32
    %dma_wait3A_53 = arith.constant 0 : i32
    %dma_wait3A_54 = tpu.memref_slice %arg4[%dma_wait3A_52, %dma_wait3A_53] : memref<100000x128xf32, #tpu.memory_space<hbm>> -> memref<100000x128xf32, #tpu.memory_space<hbm>>
    tpu.wait_indirect_dma semaphore(%arg10 : memref<!tpu.dma_semaphore, #tpu.memory_space<semaphore_mem>>) src(%dma_wait3A_54 : memref<100000x128xf32, #tpu.memory_space<hbm>>) dst(%dma_wait3A_48 : memref<128x128xf32, #tpu.memory_space<vmem>>)
    "tpu.region"() ({
      %run_scoped3A = tpu.sem_alloc : memref<!tpu.dma_semaphore, #tpu.memory_space<semaphore_mem>>
      %dma_start3A_55 = arith.constant 0 : i32
      %dma_start3A_56 = tpu.memref_slice %arg5[%mul3A_2, %dma_start3A_55] : memref<8192x128xf32, #tpu.memory_space<hbm>> -> memref<256x128xf32, #tpu.memory_space<hbm>>
      %dma_start3A_57 = arith.constant 0 : i32
      %dma_start3A_58 = tpu.memref_slice %arg5[%mul3A_2, %dma_start3A_57] : memref<8192x128xf32, #tpu.memory_space<hbm>> -> memref<256x128xf32, #tpu.memory_space<hbm>>
      tpu.enqueue_dma source(%arg9 : memref<256x128xf32, #tpu.memory_space<vmem>>) target(%dma_start3A_58 : memref<256x128xf32, #tpu.memory_space<hbm>>) target_semaphore(%run_scoped3A : memref<!tpu.dma_semaphore, #tpu.memory_space<semaphore_mem>>)
      %dma_wait3A_59 = arith.constant 0 : i32
      %dma_wait3A_60 = tpu.memref_slice %arg5[%mul3A_2, %dma_wait3A_59] : memref<8192x128xf32, #tpu.memory_space<hbm>> -> memref<256x128xf32, #tpu.memory_space<hbm>>
      %dma_wait3A_61 = arith.constant 0 : i32
      %dma_wait3A_62 = tpu.memref_slice %arg5[%mul3A_2, %dma_wait3A_61] : memref<8192x128xf32, #tpu.memory_space<hbm>> -> memref<256x128xf32, #tpu.memory_space<hbm>>
      tpu.wait_dma2 semaphore(%run_scoped3A : memref<!tpu.dma_semaphore, #tpu.memory_space<semaphore_mem>>) src(%arg9 : memref<256x128xf32, #tpu.memory_space<vmem>>) dst(%dma_wait3A_62 : memref<256x128xf32, #tpu.memory_space<hbm>>)
      tpu.yield
    }) : () -> ()
    return
  }
}

#map = affine_map<(d0, d1) -> (0)>
#map1 = affine_map<(d0, d1) -> (0, 0)>
module attributes {stable_mosaic.version = 14 : i64} {
  func.func @k(%arg0: i32, %arg1: i32, %arg2: memref<16384xi32, #tpu.memory_space<hbm>>, %arg3: memref<16384xi32, #tpu.memory_space<hbm>>, %arg4: memref<100000x128xf32, #tpu.memory_space<hbm>>, %arg5: memref<8192x128xf32, #tpu.memory_space<hbm>>, %arg6: memref<256xi32, #tpu.memory_space<vmem>>, %arg7: memref<256xi32, #tpu.memory_space<vmem>>, %arg8: memref<2x128xi32, #tpu.memory_space<vmem>>, %arg9: memref<256x128xf32, #tpu.memory_space<vmem>>, %arg10: memref<!tpu.dma_semaphore, #tpu.memory_space<semaphore_mem>>) attributes {dimension_semantics = [#tpu.dimension_semantics<core_parallel>, #tpu.dimension_semantics<subcore_parallel>], iteration_bounds = array<i64: 2, 16>, scalar_prefetch = 0 : i64, scratch_operands = 5 : i64, tpu.core_type = #tpu.core_type<sc_vector_subcore>, window_params = [{transform_indices = #map}, {transform_indices = #map}, {transform_indices = #map1}, {transform_indices = #map1}]} {
    %mul3A = arith.constant 2 : i32
    %mul3A_0 = arith.muli %arg1, %mul3A : i32
    %add3A = arith.addi %mul3A_0, %arg0 : i32
    %mul3A_1 = arith.constant 256 : i32
    %mul3A_2 = arith.muli %add3A, %mul3A_1 : i32
    %add3A_3 = arith.constant 0 : i32
    %add3A_4 = arith.addi %add3A_3, %mul3A_2 : i32
    "tpu.region"() ({
      %run_scoped3A = tpu.sem_alloc : memref<!tpu.dma_semaphore, #tpu.memory_space<semaphore_mem>>
      %dma_start3A_55 = tpu.memref_slice %arg2[%add3A_4] : memref<16384xi32, #tpu.memory_space<hbm>> -> memref<256xi32, #tpu.memory_space<hbm>>
      %dma_start3A_56 = tpu.memref_slice %arg2[%add3A_4] : memref<16384xi32, #tpu.memory_space<hbm>> -> memref<256xi32, #tpu.memory_space<hbm>>
      tpu.enqueue_dma source(%dma_start3A_56 : memref<256xi32, #tpu.memory_space<hbm>>) target(%arg6 : memref<256xi32, #tpu.memory_space<vmem>>) target_semaphore(%run_scoped3A : memref<!tpu.dma_semaphore, #tpu.memory_space<semaphore_mem>>)
      %dma_wait3A_57 = tpu.memref_slice %arg2[%add3A_4] : memref<16384xi32, #tpu.memory_space<hbm>> -> memref<256xi32, #tpu.memory_space<hbm>>
      %dma_wait3A_58 = tpu.memref_slice %arg2[%add3A_4] : memref<16384xi32, #tpu.memory_space<hbm>> -> memref<256xi32, #tpu.memory_space<hbm>>
      tpu.wait_dma2 semaphore(%run_scoped3A : memref<!tpu.dma_semaphore, #tpu.memory_space<semaphore_mem>>) src(%dma_wait3A_58 : memref<256xi32, #tpu.memory_space<hbm>>) dst(%arg6 : memref<256xi32, #tpu.memory_space<vmem>>)
      tpu.yield
    }) : () -> ()
    %add3A_5 = arith.constant 0 : i32
    %add3A_6 = arith.addi %add3A_5, %mul3A_2 : i32
    "tpu.region"() ({
      %run_scoped3A = tpu.sem_alloc : memref<!tpu.dma_semaphore, #tpu.memory_space<semaphore_mem>>
      %dma_start3A_55 = tpu.memref_slice %arg3[%add3A_6] : memref<16384xi32, #tpu.memory_space<hbm>> -> memref<256xi32, #tpu.memory_space<hbm>>
      %dma_start3A_56 = tpu.memref_slice %arg3[%add3A_6] : memref<16384xi32, #tpu.memory_space<hbm>> -> memref<256xi32, #tpu.memory_space<hbm>>
      tpu.enqueue_dma source(%dma_start3A_56 : memref<256xi32, #tpu.memory_space<hbm>>) target(%arg7 : memref<256xi32, #tpu.memory_space<vmem>>) target_semaphore(%run_scoped3A : memref<!tpu.dma_semaphore, #tpu.memory_space<semaphore_mem>>)
      %dma_wait3A_57 = tpu.memref_slice %arg3[%add3A_6] : memref<16384xi32, #tpu.memory_space<hbm>> -> memref<256xi32, #tpu.memory_space<hbm>>
      %dma_wait3A_58 = tpu.memref_slice %arg3[%add3A_6] : memref<16384xi32, #tpu.memory_space<hbm>> -> memref<256xi32, #tpu.memory_space<hbm>>
      tpu.wait_dma2 semaphore(%run_scoped3A : memref<!tpu.dma_semaphore, #tpu.memory_space<semaphore_mem>>) src(%dma_wait3A_58 : memref<256xi32, #tpu.memory_space<hbm>>) dst(%arg7 : memref<256xi32, #tpu.memory_space<vmem>>)
      tpu.yield
    }) : () -> ()
    %iota3A = tpu.iota {dimensions = array<i32: 0>} : vector<16xi32>
    %while3A = arith.constant 0 : i32
    %while3A_7 = arith.constant 0 : i32
    %while3A_8 = arith.constant 16 : i32
    %while3A_9 = arith.subi %while3A_8, %while3A_7 : i32
    %while3A_10 = arith.addi %while3A_7, %while3A_9 : i32
    %while3A_11 = arith.constant 1 : i32
    %while3A_12 = arith.divsi %while3A_9, %while3A_11 : i32
    %while3A_13 = arith.muli %while3A_12, %while3A_11 : i32
    %while3A_14 = arith.addi %while3A_7, %while3A_13 : i32
    %while3A_15 = arith.constant 1 : i32
    scf.for %while3A_55 = %while3A_7 to %while3A_14 step %while3A_15  : i32 {
      %mul3A_56 = arith.constant 16 : i32
      %mul3A_57 = arith.muli %while3A_55, %mul3A_56 : i32
      %get3A = arith.index_cast %mul3A_57 : i32 to index
      %get3A_58 = tpu.vector_load %arg6[%get3A] {strides = array<i32>} : memref<256xi32, #tpu.memory_space<vmem>>, vector<16xi32>,
      %get3A_59 = vector.shape_cast %get3A_58 : vector<16xi32> to vector<16xi32>
      %get3A_60 = arith.index_cast %mul3A_57 : i32 to index
      %get3A_61 = tpu.vector_load %arg7[%get3A_60] {strides = array<i32>} : memref<256xi32, #tpu.memory_space<vmem>>, vector<16xi32>,
      %get3A_62 = vector.shape_cast %get3A_61 : vector<16xi32> to vector<16xi32>
      %mul3A_63 = arith.constant 36313 : i32
      %mul3A_64 = vector.broadcast %mul3A_63 : i32 to vector<16xi32>
      %mul3A_65 = arith.muli %get3A_59, %mul3A_64 : vector<16xi32>
      %jit3A = arith.constant 100000 : i64
      %convert_element_type3A = arith.trunci %jit3A : i64 to i32
      %eq3A = arith.constant 0 : i32
      %eq3A_66 = arith.cmpi eq, %convert_element_type3A, %eq3A : i32
      %jit3A_67 = arith.constant 1 : i32
      %select_n3A = arith.select %eq3A_66, %jit3A_67, %convert_element_type3A : i32
      %rem3A = vector.broadcast %select_n3A : i32 to vector<16xi32>
      %rem3A_68 = arith.remui %mul3A_65, %rem3A : vector<16xi32>
      %ne3A = arith.constant 0 : i32
      %ne3A_69 = vector.broadcast %ne3A : i32 to vector<16xi32>
      %ne3A_70 = arith.cmpi ne, %rem3A_68, %ne3A_69 : vector<16xi32>
      %lt3A = arith.constant 0 : i32
      %lt3A_71 = vector.broadcast %lt3A : i32 to vector<16xi32>
      %lt3A_72 = arith.cmpi ult, %rem3A_68, %lt3A_71 : vector<16xi32>
      %lt3A_73 = arith.constant 0 : i32
      %lt3A_74 = arith.cmpi ult, %select_n3A, %lt3A_73 : i32
      %ne3A_75 = vector.broadcast %lt3A_74 : i1 to vector<16xi1>
      %ne3A_76 = vector.broadcast %ne3A_75 : vector<16xi1> to vector<16xi1>
      %ne3A_77 = arith.xori %lt3A_72, %ne3A_76 : vector<16xi1>
      %and3A = arith.andi %ne3A_77, %ne3A_70 : vector<16xi1>
      %add3A_78 = vector.broadcast %select_n3A : i32 to vector<16xi32>
      %add3A_79 = arith.addi %rem3A_68, %add3A_78 : vector<16xi32>
      %select_n3A_80 = arith.select %and3A, %add3A_79, %rem3A_68 : vector<16xi1>, vector<16xi32>
      %mul3A_81 = arith.constant 27191 : i32
      %mul3A_82 = vector.broadcast %mul3A_81 : i32 to vector<16xi32>
      %mul3A_83 = arith.muli %get3A_62, %mul3A_82 : vector<16xi32>
      %jit3A_84 = arith.constant 100000 : i64
      %convert_element_type3A_85 = arith.trunci %jit3A_84 : i64 to i32
      %eq3A_86 = arith.constant 0 : i32
      %eq3A_87 = arith.cmpi eq, %convert_element_type3A_85, %eq3A_86 : i32
      %jit3A_88 = arith.constant 1 : i32
      %select_n3A_89 = arith.select %eq3A_87, %jit3A_88, %convert_element_type3A_85 : i32
      %rem3A_90 = vector.broadcast %select_n3A_89 : i32 to vector<16xi32>
      %rem3A_91 = arith.remui %mul3A_83, %rem3A_90 : vector<16xi32>
      %ne3A_92 = arith.constant 0 : i32
      %ne3A_93 = vector.broadcast %ne3A_92 : i32 to vector<16xi32>
      %ne3A_94 = arith.cmpi ne, %rem3A_91, %ne3A_93 : vector<16xi32>
      %lt3A_95 = arith.constant 0 : i32
      %lt3A_96 = vector.broadcast %lt3A_95 : i32 to vector<16xi32>
      %lt3A_97 = arith.cmpi ult, %rem3A_91, %lt3A_96 : vector<16xi32>
      %lt3A_98 = arith.constant 0 : i32
      %lt3A_99 = arith.cmpi ult, %select_n3A_89, %lt3A_98 : i32
      %ne3A_100 = vector.broadcast %lt3A_99 : i1 to vector<16xi1>
      %ne3A_101 = vector.broadcast %ne3A_100 : vector<16xi1> to vector<16xi1>
      %ne3A_102 = arith.xori %lt3A_97, %ne3A_101 : vector<16xi1>
      %and3A_103 = arith.andi %ne3A_102, %ne3A_94 : vector<16xi1>
      %add3A_104 = vector.broadcast %select_n3A_89 : i32 to vector<16xi32>
      %add3A_105 = arith.addi %rem3A_91, %add3A_104 : vector<16xi32>
      %select_n3A_106 = arith.select %and3A_103, %add3A_105, %rem3A_91 : vector<16xi1>, vector<16xi32>
      %add3A_107 = arith.addi %select_n3A_80, %select_n3A_106 : vector<16xi32>
      %jit3A_108 = arith.constant 100000 : i64
      %convert_element_type3A_109 = arith.trunci %jit3A_108 : i64 to i32
      %eq3A_110 = arith.constant 0 : i32
      %eq3A_111 = arith.cmpi eq, %convert_element_type3A_109, %eq3A_110 : i32
      %jit3A_112 = arith.constant 1 : i32
      %select_n3A_113 = arith.select %eq3A_111, %jit3A_112, %convert_element_type3A_109 : i32
      %rem3A_114 = vector.broadcast %select_n3A_113 : i32 to vector<16xi32>
      %rem3A_115 = arith.remui %add3A_107, %rem3A_114 : vector<16xi32>
      %ne3A_116 = arith.constant 0 : i32
      %ne3A_117 = vector.broadcast %ne3A_116 : i32 to vector<16xi32>
      %ne3A_118 = arith.cmpi ne, %rem3A_115, %ne3A_117 : vector<16xi32>
      %lt3A_119 = arith.constant 0 : i32
      %lt3A_120 = vector.broadcast %lt3A_119 : i32 to vector<16xi32>
      %lt3A_121 = arith.cmpi ult, %rem3A_115, %lt3A_120 : vector<16xi32>
      %lt3A_122 = arith.constant 0 : i32
      %lt3A_123 = arith.cmpi ult, %select_n3A_113, %lt3A_122 : i32
      %ne3A_124 = vector.broadcast %lt3A_123 : i1 to vector<16xi1>
      %ne3A_125 = vector.broadcast %ne3A_124 : vector<16xi1> to vector<16xi1>
      %ne3A_126 = arith.xori %lt3A_121, %ne3A_125 : vector<16xi1>
      %and3A_127 = arith.andi %ne3A_126, %ne3A_118 : vector<16xi1>
      %add3A_128 = vector.broadcast %select_n3A_113 : i32 to vector<16xi32>
      %add3A_129 = arith.addi %rem3A_115, %add3A_128 : vector<16xi32>
      %select_n3A_130 = arith.select %and3A_127, %add3A_129, %rem3A_115 : vector<16xi1>, vector<16xi32>
      %add3A_131 = arith.constant 0 : i32
      %add3A_132 = arith.addi %add3A_131, %mul3A_2 : i32
      %add3A_133 = arith.addi %add3A_132, %mul3A_57 : i32
      %add3A_134 = vector.broadcast %add3A_133 : i32 to vector<16xi32>
      %add3A_135 = arith.addi %add3A_134, %iota3A : vector<16xi32>
      %and3A_136 = arith.constant 4095 : i32
      %and3A_137 = vector.broadcast %and3A_136 : i32 to vector<16xi32>
      %and3A_138 = arith.andi %add3A_135, %and3A_137 : vector<16xi32>
      %eq3A_139 = arith.constant 0 : i32
      %eq3A_140 = vector.broadcast %eq3A_139 : i32 to vector<16xi32>
      %eq3A_141 = arith.cmpi eq, %and3A_138, %eq3A_140 : vector<16xi32>
      %jit3A_142 = arith.constant 0 : i32
      %broadcast_in_dim3A = vector.broadcast %jit3A_142 : i32 to vector<16xi32>
      %select_n3A_143 = arith.select %eq3A_141, %broadcast_in_dim3A, %select_n3A_130 : vector<16xi1>, vector<16xi32>
      %jit3A_144 = arith.constant 8 : i64
      %convert_element_type3A_145 = arith.trunci %jit3A_144 : i64 to i32
      %div3A = arith.divsi %while3A_55, %convert_element_type3A_145 : i32
      %sign3A = arith.constant 0 : i32
      %sign3A_146 = arith.cmpi sgt, %while3A_55, %sign3A : i32
      %sign3A_147 = arith.extui %sign3A_146 : i1 to i32
      %sign3A_148 = arith.constant 0 : i32
      %sign3A_149 = arith.cmpi slt, %while3A_55, %sign3A_148 : i32
      %sign3A_150 = arith.extui %sign3A_149 : i1 to i32
      %sign3A_151 = arith.subi %sign3A_147, %sign3A_150 : i32
      %sign3A_152 = arith.constant 0 : i32
      %sign3A_153 = arith.cmpi sgt, %convert_element_type3A_145, %sign3A_152 : i32
      %sign3A_154 = arith.extui %sign3A_153 : i1 to i32
      %sign3A_155 = arith.constant 0 : i32
      %sign3A_156 = arith.cmpi slt, %convert_element_type3A_145, %sign3A_155 : i32
      %sign3A_157 = arith.extui %sign3A_156 : i1 to i32
      %sign3A_158 = arith.subi %sign3A_154, %sign3A_157 : i32
      %ne3A_159 = arith.cmpi ne, %sign3A_151, %sign3A_158 : i32
      %rem3A_160 = arith.remsi %while3A_55, %convert_element_type3A_145 : i32
      %ne3A_161 = arith.constant 0 : i32
      %ne3A_162 = arith.cmpi ne, %rem3A_160, %ne3A_161 : i32
      %and3A_163 = arith.andi %ne3A_159, %ne3A_162 : i1
      %sub3A = arith.constant 1 : i32
      %sub3A_164 = arith.subi %div3A, %sub3A : i32
      %select_n3A_165 = arith.select %and3A_163, %sub3A_164, %div3A : i32
      %jit3A_166 = arith.constant 128 : i64
      %convert_element_type3A_167 = arith.trunci %jit3A_166 : i64 to i32
      %eq3A_168 = arith.constant 0 : i32
      %eq3A_169 = arith.cmpi eq, %convert_element_type3A_167, %eq3A_168 : i32
      %jit3A_170 = arith.constant 1 : i32
      %select_n3A_171 = arith.select %eq3A_169, %jit3A_170, %convert_element_type3A_167 : i32
      %rem3A_172 = arith.remsi %mul3A_57, %select_n3A_171 : i32
      %ne3A_173 = arith.constant 0 : i32
      %ne3A_174 = arith.cmpi ne, %rem3A_172, %ne3A_173 : i32
      %lt3A_175 = arith.constant 0 : i32
      %lt3A_176 = arith.cmpi slt, %rem3A_172, %lt3A_175 : i32
      %lt3A_177 = arith.constant 0 : i32
      %lt3A_178 = arith.cmpi slt, %select_n3A_171, %lt3A_177 : i32
      %ne3A_179 = arith.xori %lt3A_176, %lt3A_178 : i1
      %and3A_180 = arith.andi %ne3A_179, %ne3A_174 : i1
      %add3A_181 = arith.addi %rem3A_172, %select_n3A_171 : i32
      %select_n3A_182 = arith.select %and3A_180, %add3A_181, %rem3A_172 : i32
      %swap3A = arith.index_cast %select_n3A_165 : i32 to index
      %swap3A_183 = arith.index_cast %select_n3A_182 : i32 to index
      %swap3A_184 = tpu.vector_load %arg8[%swap3A, %swap3A_183] {strides = array<i32>} : memref<2x128xi32, #tpu.memory_space<vmem>>, vector<1x16xi32>,
      %swap3A_185 = vector.shape_cast %swap3A_184 : vector<1x16xi32> to vector<16xi32>
      %swap3A_186 = vector.shape_cast %select_n3A_143 : vector<16xi32> to vector<1x16xi32>
      tpu.vector_store %arg8[%swap3A, %swap3A_183], %swap3A_186 {strides = array<i32>} : memref<2x128xi32, #tpu.memory_space<vmem>>, vector<1x16xi32>,
    }
    %while3A_16 = arith.constant 1 : i32
    scf.for %while3A_55 = %while3A_14 to %while3A_10 step %while3A_16  : i32 {
      %mul3A_56 = arith.constant 16 : i32
      %mul3A_57 = arith.muli %while3A_55, %mul3A_56 : i32
      %get3A = arith.index_cast %mul3A_57 : i32 to index
      %get3A_58 = tpu.vector_load %arg6[%get3A] {strides = array<i32>} : memref<256xi32, #tpu.memory_space<vmem>>, vector<16xi32>,
      %get3A_59 = vector.shape_cast %get3A_58 : vector<16xi32> to vector<16xi32>
      %get3A_60 = arith.index_cast %mul3A_57 : i32 to index
      %get3A_61 = tpu.vector_load %arg7[%get3A_60] {strides = array<i32>} : memref<256xi32, #tpu.memory_space<vmem>>, vector<16xi32>,
      %get3A_62 = vector.shape_cast %get3A_61 : vector<16xi32> to vector<16xi32>
      %mul3A_63 = arith.constant 36313 : i32
      %mul3A_64 = vector.broadcast %mul3A_63 : i32 to vector<16xi32>
      %mul3A_65 = arith.muli %get3A_59, %mul3A_64 : vector<16xi32>
      %jit3A = arith.constant 100000 : i64
      %convert_element_type3A = arith.trunci %jit3A : i64 to i32
      %eq3A = arith.constant 0 : i32
      %eq3A_66 = arith.cmpi eq, %convert_element_type3A, %eq3A : i32
      %jit3A_67 = arith.constant 1 : i32
      %select_n3A = arith.select %eq3A_66, %jit3A_67, %convert_element_type3A : i32
      %rem3A = vector.broadcast %select_n3A : i32 to vector<16xi32>
      %rem3A_68 = arith.remui %mul3A_65, %rem3A : vector<16xi32>
      %ne3A = arith.constant 0 : i32
      %ne3A_69 = vector.broadcast %ne3A : i32 to vector<16xi32>
      %ne3A_70 = arith.cmpi ne, %rem3A_68, %ne3A_69 : vector<16xi32>
      %lt3A = arith.constant 0 : i32
      %lt3A_71 = vector.broadcast %lt3A : i32 to vector<16xi32>
      %lt3A_72 = arith.cmpi ult, %rem3A_68, %lt3A_71 : vector<16xi32>
      %lt3A_73 = arith.constant 0 : i32
      %lt3A_74 = arith.cmpi ult, %select_n3A, %lt3A_73 : i32
      %ne3A_75 = vector.broadcast %lt3A_74 : i1 to vector<16xi1>
      %ne3A_76 = vector.broadcast %ne3A_75 : vector<16xi1> to vector<16xi1>
      %ne3A_77 = arith.xori %lt3A_72, %ne3A_76 : vector<16xi1>
      %and3A = arith.andi %ne3A_77, %ne3A_70 : vector<16xi1>
      %add3A_78 = vector.broadcast %select_n3A : i32 to vector<16xi32>
      %add3A_79 = arith.addi %rem3A_68, %add3A_78 : vector<16xi32>
      %select_n3A_80 = arith.select %and3A, %add3A_79, %rem3A_68 : vector<16xi1>, vector<16xi32>
      %mul3A_81 = arith.constant 27191 : i32
      %mul3A_82 = vector.broadcast %mul3A_81 : i32 to vector<16xi32>
      %mul3A_83 = arith.muli %get3A_62, %mul3A_82 : vector<16xi32>
      %jit3A_84 = arith.constant 100000 : i64
      %convert_element_type3A_85 = arith.trunci %jit3A_84 : i64 to i32
      %eq3A_86 = arith.constant 0 : i32
      %eq3A_87 = arith.cmpi eq, %convert_element_type3A_85, %eq3A_86 : i32
      %jit3A_88 = arith.constant 1 : i32
      %select_n3A_89 = arith.select %eq3A_87, %jit3A_88, %convert_element_type3A_85 : i32
      %rem3A_90 = vector.broadcast %select_n3A_89 : i32 to vector<16xi32>
      %rem3A_91 = arith.remui %mul3A_83, %rem3A_90 : vector<16xi32>
      %ne3A_92 = arith.constant 0 : i32
      %ne3A_93 = vector.broadcast %ne3A_92 : i32 to vector<16xi32>
      %ne3A_94 = arith.cmpi ne, %rem3A_91, %ne3A_93 : vector<16xi32>
      %lt3A_95 = arith.constant 0 : i32
      %lt3A_96 = vector.broadcast %lt3A_95 : i32 to vector<16xi32>
      %lt3A_97 = arith.cmpi ult, %rem3A_91, %lt3A_96 : vector<16xi32>
      %lt3A_98 = arith.constant 0 : i32
      %lt3A_99 = arith.cmpi ult, %select_n3A_89, %lt3A_98 : i32
      %ne3A_100 = vector.broadcast %lt3A_99 : i1 to vector<16xi1>
      %ne3A_101 = vector.broadcast %ne3A_100 : vector<16xi1> to vector<16xi1>
      %ne3A_102 = arith.xori %lt3A_97, %ne3A_101 : vector<16xi1>
      %and3A_103 = arith.andi %ne3A_102, %ne3A_94 : vector<16xi1>
      %add3A_104 = vector.broadcast %select_n3A_89 : i32 to vector<16xi32>
      %add3A_105 = arith.addi %rem3A_91, %add3A_104 : vector<16xi32>
      %select_n3A_106 = arith.select %and3A_103, %add3A_105, %rem3A_91 : vector<16xi1>, vector<16xi32>
      %add3A_107 = arith.addi %select_n3A_80, %select_n3A_106 : vector<16xi32>
      %jit3A_108 = arith.constant 100000 : i64
      %convert_element_type3A_109 = arith.trunci %jit3A_108 : i64 to i32
      %eq3A_110 = arith.constant 0 : i32
      %eq3A_111 = arith.cmpi eq, %convert_element_type3A_109, %eq3A_110 : i32
      %jit3A_112 = arith.constant 1 : i32
      %select_n3A_113 = arith.select %eq3A_111, %jit3A_112, %convert_element_type3A_109 : i32
      %rem3A_114 = vector.broadcast %select_n3A_113 : i32 to vector<16xi32>
      %rem3A_115 = arith.remui %add3A_107, %rem3A_114 : vector<16xi32>
      %ne3A_116 = arith.constant 0 : i32
      %ne3A_117 = vector.broadcast %ne3A_116 : i32 to vector<16xi32>
      %ne3A_118 = arith.cmpi ne, %rem3A_115, %ne3A_117 : vector<16xi32>
      %lt3A_119 = arith.constant 0 : i32
      %lt3A_120 = vector.broadcast %lt3A_119 : i32 to vector<16xi32>
      %lt3A_121 = arith.cmpi ult, %rem3A_115, %lt3A_120 : vector<16xi32>
      %lt3A_122 = arith.constant 0 : i32
      %lt3A_123 = arith.cmpi ult, %select_n3A_113, %lt3A_122 : i32
      %ne3A_124 = vector.broadcast %lt3A_123 : i1 to vector<16xi1>
      %ne3A_125 = vector.broadcast %ne3A_124 : vector<16xi1> to vector<16xi1>
      %ne3A_126 = arith.xori %lt3A_121, %ne3A_125 : vector<16xi1>
      %and3A_127 = arith.andi %ne3A_126, %ne3A_118 : vector<16xi1>
      %add3A_128 = vector.broadcast %select_n3A_113 : i32 to vector<16xi32>
      %add3A_129 = arith.addi %rem3A_115, %add3A_128 : vector<16xi32>
      %select_n3A_130 = arith.select %and3A_127, %add3A_129, %rem3A_115 : vector<16xi1>, vector<16xi32>
      %add3A_131 = arith.constant 0 : i32
      %add3A_132 = arith.addi %add3A_131, %mul3A_2 : i32
      %add3A_133 = arith.addi %add3A_132, %mul3A_57 : i32
      %add3A_134 = vector.broadcast %add3A_133 : i32 to vector<16xi32>
      %add3A_135 = arith.addi %add3A_134, %iota3A : vector<16xi32>
      %and3A_136 = arith.constant 4095 : i32
      %and3A_137 = vector.broadcast %and3A_136 : i32 to vector<16xi32>
      %and3A_138 = arith.andi %add3A_135, %and3A_137 : vector<16xi32>
      %eq3A_139 = arith.constant 0 : i32
      %eq3A_140 = vector.broadcast %eq3A_139 : i32 to vector<16xi32>
      %eq3A_141 = arith.cmpi eq, %and3A_138, %eq3A_140 : vector<16xi32>
      %jit3A_142 = arith.constant 0 : i32
      %broadcast_in_dim3A = vector.broadcast %jit3A_142 : i32 to vector<16xi32>
      %select_n3A_143 = arith.select %eq3A_141, %broadcast_in_dim3A, %select_n3A_130 : vector<16xi1>, vector<16xi32>
      %jit3A_144 = arith.constant 8 : i64
      %convert_element_type3A_145 = arith.trunci %jit3A_144 : i64 to i32
      %div3A = arith.divsi %while3A_55, %convert_element_type3A_145 : i32
      %sign3A = arith.constant 0 : i32
      %sign3A_146 = arith.cmpi sgt, %while3A_55, %sign3A : i32
      %sign3A_147 = arith.extui %sign3A_146 : i1 to i32
      %sign3A_148 = arith.constant 0 : i32
      %sign3A_149 = arith.cmpi slt, %while3A_55, %sign3A_148 : i32
      %sign3A_150 = arith.extui %sign3A_149 : i1 to i32
      %sign3A_151 = arith.subi %sign3A_147, %sign3A_150 : i32
      %sign3A_152 = arith.constant 0 : i32
      %sign3A_153 = arith.cmpi sgt, %convert_element_type3A_145, %sign3A_152 : i32
      %sign3A_154 = arith.extui %sign3A_153 : i1 to i32
      %sign3A_155 = arith.constant 0 : i32
      %sign3A_156 = arith.cmpi slt, %convert_element_type3A_145, %sign3A_155 : i32
      %sign3A_157 = arith.extui %sign3A_156 : i1 to i32
      %sign3A_158 = arith.subi %sign3A_154, %sign3A_157 : i32
      %ne3A_159 = arith.cmpi ne, %sign3A_151, %sign3A_158 : i32
      %rem3A_160 = arith.remsi %while3A_55, %convert_element_type3A_145 : i32
      %ne3A_161 = arith.constant 0 : i32
      %ne3A_162 = arith.cmpi ne, %rem3A_160, %ne3A_161 : i32
      %and3A_163 = arith.andi %ne3A_159, %ne3A_162 : i1
      %sub3A = arith.constant 1 : i32
      %sub3A_164 = arith.subi %div3A, %sub3A : i32
      %select_n3A_165 = arith.select %and3A_163, %sub3A_164, %div3A : i32
      %jit3A_166 = arith.constant 128 : i64
      %convert_element_type3A_167 = arith.trunci %jit3A_166 : i64 to i32
      %eq3A_168 = arith.constant 0 : i32
      %eq3A_169 = arith.cmpi eq, %convert_element_type3A_167, %eq3A_168 : i32
      %jit3A_170 = arith.constant 1 : i32
      %select_n3A_171 = arith.select %eq3A_169, %jit3A_170, %convert_element_type3A_167 : i32
      %rem3A_172 = arith.remsi %mul3A_57, %select_n3A_171 : i32
      %ne3A_173 = arith.constant 0 : i32
      %ne3A_174 = arith.cmpi ne, %rem3A_172, %ne3A_173 : i32
      %lt3A_175 = arith.constant 0 : i32
      %lt3A_176 = arith.cmpi slt, %rem3A_172, %lt3A_175 : i32
      %lt3A_177 = arith.constant 0 : i32
      %lt3A_178 = arith.cmpi slt, %select_n3A_171, %lt3A_177 : i32
      %ne3A_179 = arith.xori %lt3A_176, %lt3A_178 : i1
      %and3A_180 = arith.andi %ne3A_179, %ne3A_174 : i1
      %add3A_181 = arith.addi %rem3A_172, %select_n3A_171 : i32
      %select_n3A_182 = arith.select %and3A_180, %add3A_181, %rem3A_172 : i32
      %swap3A = arith.index_cast %select_n3A_165 : i32 to index
      %swap3A_183 = arith.index_cast %select_n3A_182 : i32 to index
      %swap3A_184 = tpu.vector_load %arg8[%swap3A, %swap3A_183] {strides = array<i32>} : memref<2x128xi32, #tpu.memory_space<vmem>>, vector<1x16xi32>,
      %swap3A_185 = vector.shape_cast %swap3A_184 : vector<1x16xi32> to vector<16xi32>
      %swap3A_186 = vector.shape_cast %select_n3A_143 : vector<16xi32> to vector<1x16xi32>
      tpu.vector_store %arg8[%swap3A, %swap3A_183], %swap3A_186 {strides = array<i32>} : memref<2x128xi32, #tpu.memory_space<vmem>>, vector<1x16xi32>,
    }
    %dma_start3A = arith.constant 0 : i32
    %dma_start3A_17 = arith.constant 0 : i32
    %dma_start3A_18 = arith.constant 0 : i32
    %dma_start3A_19 = tpu.memref_slice %arg9[%dma_start3A_17, %dma_start3A_18] : memref<256x128xf32, #tpu.memory_space<vmem>> -> memref<128x128xf32, #tpu.memory_space<vmem>>
    %dma_start3A_20 = arith.constant 0 : i32
    %dma_start3A_21 = tpu.memref_slice %arg8[%dma_start3A, %dma_start3A_20] : memref<2x128xi32, #tpu.memory_space<vmem>> -> memref<1x128xi32, #tpu.memory_space<vmem>>
    %dma_start3A_22 = tpu.memref_squeeze %dma_start3A_21 : memref<1x128xi32, #tpu.memory_space<vmem>> -> memref<128xi32, #tpu.memory_space<vmem>>
    %dma_start3A_23 = arith.constant 0 : i32
    %dma_start3A_24 = arith.constant 0 : i32
    %dma_start3A_25 = tpu.memref_slice %arg4[%dma_start3A_23, %dma_start3A_24] : memref<100000x128xf32, #tpu.memory_space<hbm>> -> memref<100000x128xf32, #tpu.memory_space<hbm>>
    tpu.enqueue_indirect_dma source(%dma_start3A_25 : memref<100000x128xf32, #tpu.memory_space<hbm>>) target(%dma_start3A_19 : memref<128x128xf32, #tpu.memory_space<vmem>>) offsets(%dma_start3A_22 : memref<128xi32, #tpu.memory_space<vmem>>) semaphore(%arg10 : memref<!tpu.dma_semaphore, #tpu.memory_space<semaphore_mem>>)
    %dma_wait3A = arith.constant 0 : i32
    %dma_wait3A_26 = arith.constant 0 : i32
    %dma_wait3A_27 = arith.constant 0 : i32
    %dma_wait3A_28 = tpu.memref_slice %arg9[%dma_wait3A_26, %dma_wait3A_27] : memref<256x128xf32, #tpu.memory_space<vmem>> -> memref<128x128xf32, #tpu.memory_space<vmem>>
    %dma_wait3A_29 = arith.constant 0 : i32
    %dma_wait3A_30 = tpu.memref_slice %arg8[%dma_wait3A, %dma_wait3A_29] : memref<2x128xi32, #tpu.memory_space<vmem>> -> memref<1x128xi32, #tpu.memory_space<vmem>>
    %dma_wait3A_31 = tpu.memref_squeeze %dma_wait3A_30 : memref<1x128xi32, #tpu.memory_space<vmem>> -> memref<128xi32, #tpu.memory_space<vmem>>
    %dma_wait3A_32 = arith.constant 0 : i32
    %dma_wait3A_33 = arith.constant 0 : i32
    %dma_wait3A_34 = tpu.memref_slice %arg4[%dma_wait3A_32, %dma_wait3A_33] : memref<100000x128xf32, #tpu.memory_space<hbm>> -> memref<100000x128xf32, #tpu.memory_space<hbm>>
    tpu.wait_indirect_dma semaphore(%arg10 : memref<!tpu.dma_semaphore, #tpu.memory_space<semaphore_mem>>) src(%dma_wait3A_34 : memref<100000x128xf32, #tpu.memory_space<hbm>>) dst(%dma_wait3A_28 : memref<128x128xf32, #tpu.memory_space<vmem>>)
    %dma_start3A_35 = arith.constant 1 : i32
    %dma_start3A_36 = arith.constant 128 : i32
    %dma_start3A_37 = arith.constant 0 : i32
    %dma_start3A_38 = tpu.memref_slice %arg9[%dma_start3A_36, %dma_start3A_37] : memref<256x128xf32, #tpu.memory_space<vmem>> -> memref<128x128xf32, #tpu.memory_space<vmem>>
    %dma_start3A_39 = arith.constant 0 : i32
    %dma_start3A_40 = tpu.memref_slice %arg8[%dma_start3A_35, %dma_start3A_39] : memref<2x128xi32, #tpu.memory_space<vmem>> -> memref<1x128xi32, #tpu.memory_space<vmem>>
    %dma_start3A_41 = tpu.memref_squeeze %dma_start3A_40 : memref<1x128xi32, #tpu.memory_space<vmem>> -> memref<128xi32, #tpu.memory_space<vmem>>
    %dma_start3A_42 = arith.constant 0 : i32
    %dma_start3A_43 = arith.constant 0 : i32
    %dma_start3A_44 = tpu.memref_slice %arg4[%dma_start3A_42, %dma_start3A_43] : memref<100000x128xf32, #tpu.memory_space<hbm>> -> memref<100000x128xf32, #tpu.memory_space<hbm>>
    tpu.enqueue_indirect_dma source(%dma_start3A_44 : memref<100000x128xf32, #tpu.memory_space<hbm>>) target(%dma_start3A_38 : memref<128x128xf32, #tpu.memory_space<vmem>>) offsets(%dma_start3A_41 : memref<128xi32, #tpu.memory_space<vmem>>) semaphore(%arg10 : memref<!tpu.dma_semaphore, #tpu.memory_space<semaphore_mem>>)
    %dma_wait3A_45 = arith.constant 1 : i32
    %dma_wait3A_46 = arith.constant 128 : i32
    %dma_wait3A_47 = arith.constant 0 : i32
    %dma_wait3A_48 = tpu.memref_slice %arg9[%dma_wait3A_46, %dma_wait3A_47] : memref<256x128xf32, #tpu.memory_space<vmem>> -> memref<128x128xf32, #tpu.memory_space<vmem>>
    %dma_wait3A_49 = arith.constant 0 : i32
    %dma_wait3A_50 = tpu.memref_slice %arg8[%dma_wait3A_45, %dma_wait3A_49] : memref<2x128xi32, #tpu.memory_space<vmem>> -> memref<1x128xi32, #tpu.memory_space<vmem>>
    %dma_wait3A_51 = tpu.memref_squeeze %dma_wait3A_50 : memref<1x128xi32, #tpu.memory_space<vmem>> -> memref<128xi32, #tpu.memory_space<vmem>>
    %dma_wait3A_52 = arith.constant 0 : i32
    %dma_wait3A_53 = arith.constant 0 : i32
    %dma_wait3A_54 = tpu.memref_slice %arg4[%dma_wait3A_52, %dma_wait3A_53] : memref<100000x128xf32, #tpu.memory_space<hbm>> -> memref<100000x128xf32, #tpu.memory_space<hbm>>
    tpu.wait_indirect_dma semaphore(%arg10 : memref<!tpu.dma_semaphore, #tpu.memory_space<semaphore_mem>>) src(%dma_wait3A_54 : memref<100000x128xf32, #tpu.memory_space<hbm>>) dst(%dma_wait3A_48 : memref<128x128xf32, #tpu.memory_space<vmem>>)
    "tpu.region"() ({
      %run_scoped3A = tpu.sem_alloc : memref<!tpu.dma_semaphore, #tpu.memory_space<semaphore_mem>>
      %dma_start3A_55 = arith.constant 0 : i32
      %dma_start3A_56 = tpu.memref_slice %arg5[%mul3A_2, %dma_start3A_55] : memref<8192x128xf32, #tpu.memory_space<hbm>> -> memref<256x128xf32, #tpu.memory_space<hbm>>
      %dma_start3A_57 = arith.constant 0 : i32
      %dma_start3A_58 = tpu.memref_slice %arg5[%mul3A_2, %dma_start3A_57] : memref<8192x128xf32, #tpu.memory_space<hbm>> -> memref<256x128xf32, #tpu.memory_space<hbm>>
      tpu.enqueue_dma source(%arg9 : memref<256x128xf32, #tpu.memory_space<vmem>>) target(%dma_start3A_58 : memref<256x128xf32, #tpu.memory_space<hbm>>) target_semaphore(%run_scoped3A : memref<!tpu.dma_semaphore, #tpu.memory_space<semaphore_mem>>)
      %dma_wait3A_59 = arith.constant 0 : i32
      %dma_wait3A_60 = tpu.memref_slice %arg5[%mul3A_2, %dma_wait3A_59] : memref<8192x128xf32, #tpu.memory_space<hbm>> -> memref<256x128xf32, #tpu.memory_space<hbm>>
      %dma_wait3A_61 = arith.constant 0 : i32
      %dma_wait3A_62 = tpu.memref_slice %arg5[%mul3A_2, %dma_wait3A_61] : memref<8192x128xf32, #tpu.memory_space<hbm>> -> memref<256x128xf32, #tpu.memory_space<hbm>>
      tpu.wait_dma2 semaphore(%run_scoped3A : memref<!tpu.dma_semaphore, #tpu.memory_space<semaphore_mem>>) src(%arg9 : memref<256x128xf32, #tpu.memory_space<vmem>>) dst(%dma_wait3A_62 : memref<256x128xf32, #tpu.memory_space<hbm>>)
      tpu.yield
    }) : () -> ()
    return
  }
}

module attributes {stable_mosaic.version = 14 : i64} {
  func.func @_mm_first_body(%arg0: i32, %arg1: memref<1xf32, #tpu.memory_space<smem>>, %arg2: memref<1024x128xf32, #tpu.memory_space<vmem>>, %arg3: memref<2048x128xf32, #tpu.memory_space<vmem>>, %arg4: memref<1024x2048xf32, #tpu.memory_space<vmem>>) attributes {dimension_semantics = [#tpu.dimension_semantics<arbitrary>], iteration_bounds = array<i64: 8>, scalar_prefetch = 0 : i64, scratch_operands = 0 : i64, tpu.core_type = #tpu.core_type<tc>, window_params = [{transform_indices = @transform_0, window_bounds = array<i64: 1>}, {transform_indices = @transform_1, window_bounds = array<i64: 1024, 128>}, {pipeline_mode = #tpu.pipeline_mode<synchronous>, transform_indices = @transform_2, window_bounds = array<i64: 2048, 128>}, {transform_indices = @transform_3, window_bounds = array<i64: 1024, 2048>}]} {
    %get3A = arith.constant 0 : index
    %get3A_0 = arith.constant 0 : index
    %get3A_1 = vector.load %arg2[%get3A, %get3A_0] : memref<1024x128xf32, #tpu.memory_space<vmem>>, vector<1024x128xf32>
    %get3A_2 = arith.constant 0 : index
    %get3A_3 = memref.load %arg1[%get3A_2] : memref<1xf32, #tpu.memory_space<smem>>
    %mul3A = vector.broadcast %get3A_3 : f32 to vector<1024x128xf32>
    %mul3A_4 = arith.mulf %get3A_1, %mul3A : vector<1024x128xf32>
    %get3A_5 = arith.constant 0 : index
    %get3A_6 = arith.constant 0 : index
    %get3A_7 = vector.load %arg3[%get3A_5, %get3A_6] : memref<2048x128xf32, #tpu.memory_space<vmem>>, vector<2048x128xf32>
    %dot_general3A = arith.constant dense<0.000000e+00> : vector<1024x2048xf32>
    %dot_general3A_8 = tpu.matmul %mul3A_4, %get3A_7, %dot_general3A {dimension_numbers = #tpu.dot_dimension_numbers<[1], [1], [0], [0], [0, 0, 1, 0], [], []>, transpose_lhs_hint = false} : vector<1024x128xf32>, vector<2048x128xf32>, vector<1024x2048xf32> -> vector<1024x2048xf32>
    %swap3A = arith.constant 0 : index
    %swap3A_9 = arith.constant 0 : index
    %swap3A_10 = vector.load %arg4[%swap3A, %swap3A_9] : memref<1024x2048xf32, #tpu.memory_space<vmem>>, vector<1024x2048xf32>
    tpu.vector_store %arg4[%swap3A, %swap3A_9], %dot_general3A_8 {strides = array<i32>} : memref<1024x2048xf32, #tpu.memory_space<vmem>>, vector<1024x2048xf32>,
    return
  }
  func.func @transform_0(%arg0: i32) -> i32 {
    %c0_i32 = arith.constant 0 : i32
    %c0_i32_0 = arith.constant 0 : i32
    return %c0_i32 : i32
  }
  func.func @transform_1(%arg0: i32) -> (i32, i32) {
    %c0_i32 = arith.constant 0 : i32
    %c0_i32_0 = arith.constant 0 : i32
    return %arg0, %c0_i32 : i32, i32
  }
  func.func @transform_2(%arg0: i32) -> (i32, i32) {
    %c0_i32 = arith.constant 0 : i32
    %c0_i32_0 = arith.constant 0 : i32
    %c0_i32_1 = arith.constant 0 : i32
    return %c0_i32, %c0_i32_0 : i32, i32
  }
  func.func @transform_3(%arg0: i32) -> (i32, i32) {
    %add3A = arith.constant 0 : i32
    %add3A_0 = arith.addi %arg0, %add3A : i32
    %c0_i32 = arith.constant 0 : i32
    %c0_i32_1 = arith.constant 0 : i32
    return %add3A_0, %c0_i32 : i32, i32
  }
}

module attributes {stable_mosaic.version = 14 : i64} {
  func.func @_mm_next_body(%arg0: i32, %arg1: memref<1xf32, #tpu.memory_space<smem>>, %arg2: memref<1024x128xf32, #tpu.memory_space<vmem>>, %arg3: memref<2048x128xf32, #tpu.memory_space<vmem>>, %arg4: memref<16384x2048xf32, #tpu.memory_space<any>>, %arg5: memref<1024x2048xf32, #tpu.memory_space<vmem>>) attributes {dimension_semantics = [#tpu.dimension_semantics<arbitrary>], iteration_bounds = array<i64: 8>, scalar_prefetch = 0 : i64, scratch_operands = 0 : i64, tpu.core_type = #tpu.core_type<tc>, window_params = [{transform_indices = @transform_0, window_bounds = array<i64: 1>}, {transform_indices = @transform_1, window_bounds = array<i64: 1024, 128>}, {pipeline_mode = #tpu.pipeline_mode<synchronous>, transform_indices = @transform_2, window_bounds = array<i64: 2048, 128>}, {}, {transform_indices = @transform_4, window_bounds = array<i64: 1024, 2048>}]} {
    %get3A = arith.constant 0 : index
    %get3A_0 = arith.constant 0 : index
    %get3A_1 = vector.load %arg2[%get3A, %get3A_0] : memref<1024x128xf32, #tpu.memory_space<vmem>>, vector<1024x128xf32>
    %get3A_2 = arith.constant 0 : index
    %get3A_3 = memref.load %arg1[%get3A_2] : memref<1xf32, #tpu.memory_space<smem>>
    %mul3A = vector.broadcast %get3A_3 : f32 to vector<1024x128xf32>
    %mul3A_4 = arith.mulf %get3A_1, %mul3A : vector<1024x128xf32>
    %get3A_5 = arith.constant 0 : index
    %get3A_6 = arith.constant 0 : index
    %get3A_7 = vector.load %arg3[%get3A_5, %get3A_6] : memref<2048x128xf32, #tpu.memory_space<vmem>>, vector<2048x128xf32>
    %dot_general3A = arith.constant dense<0.000000e+00> : vector<1024x2048xf32>
    %dot_general3A_8 = tpu.matmul %mul3A_4, %get3A_7, %dot_general3A {dimension_numbers = #tpu.dot_dimension_numbers<[1], [1], [0], [0], [0, 0, 1, 0], [], []>, transpose_lhs_hint = false} : vector<1024x128xf32>, vector<2048x128xf32>, vector<1024x2048xf32> -> vector<1024x2048xf32>
    %swap3A = arith.constant 0 : index
    %swap3A_9 = arith.constant 0 : index
    %swap3A_10 = vector.load %arg5[%swap3A, %swap3A_9] : memref<1024x2048xf32, #tpu.memory_space<vmem>>, vector<1024x2048xf32>
    tpu.vector_store %arg5[%swap3A, %swap3A_9], %dot_general3A_8 {strides = array<i32>} : memref<1024x2048xf32, #tpu.memory_space<vmem>>, vector<1024x2048xf32>,
    return
  }
  func.func @transform_0(%arg0: i32) -> i32 {
    %c0_i32 = arith.constant 0 : i32
    %c0_i32_0 = arith.constant 0 : i32
    return %c0_i32 : i32
  }
  func.func @transform_1(%arg0: i32) -> (i32, i32) {
    %c0_i32 = arith.constant 0 : i32
    %c0_i32_0 = arith.constant 0 : i32
    return %arg0, %c0_i32 : i32, i32
  }
  func.func @transform_2(%arg0: i32) -> (i32, i32) {
    %c0_i32 = arith.constant 0 : i32
    %c0_i32_0 = arith.constant 0 : i32
    %c0_i32_1 = arith.constant 0 : i32
    return %c0_i32, %c0_i32_0 : i32, i32
  }
  func.func @transform_4(%arg0: i32) -> (i32, i32) {
    %add3A = arith.constant 8 : i32
    %add3A_0 = arith.addi %arg0, %add3A : i32
    %c0_i32 = arith.constant 0 : i32
    %c0_i32_1 = arith.constant 0 : i32
    return %add3A_0, %c0_i32 : i32, i32
  }
}

</mosaic_0001>

<sc_bundles>
// kernel: kernel.6.cloned.1.call-start
scs
__scs_entry_jumppad:
0x0: {  	(pc) =	sbr.rel $0x88, $3  }
0x1: {  	(tag) =	ssettag $0x0;
	lr =	simm.s32 $0x1  }
0x2: {  	[smem:$0x3F9D] =	sst lr;
	_ =	strace $0xD0000000  }
0x3: {  	_ = 	snop  }
0x4: {  	_ = 	snop  }
0x5: {  	_ = 	snop  }
0x6: {  	_ = 	snop  }
0x7: {  	_ = 	snop  }
__scs_overlays_trampoline_lowered:
0x8: {  	[smem:$0x3FAC] =	sst s0  }
0x9: {  	[smem:$0x3FAD] =	sst s1  }
0xa: {  	[smem:$0x3FAE] =	sst s2  }
0xb: {  	[smem:$0x3FAF] =	sst s3  }
0xc: {  	[smem:$0x3FB0] =	sst s4  }
0xd: {  	[smem:$0x3FB1] =	sst s5  }
0xe: {  	[smem:$0x3FB2] =	sst s6  }
0xf: {  	[smem:$0x3FB3] =	sst s7  }
0x10: {  	[smem:$0x3FB4] =	sst s8  }
0x11: {  	[smem:$0x3FB5] =	sst s9;
	s0 =	simm.s32 @!p0 $0x0  }
0x12: {  	s1 =	sld [smem:$0x3F9B];
	s0 =	simm.s32 @p0 $0x1  }
0x13: {  	[smem:$0x3FB6] =	sst s0;
	s0 =	simm.s32 @!p1 $0x0  }
0x14: {  	s2 =	sld [smem:$0x3F9A];
	s0 =	simm.s32 @p1 $0x1  }
0x15: {  	[smem:$0x3FB7] =	sst s0;
	s0 =	simm.s32 @!p2 $0x0  }
0x16: {  	s3 =	sld [smem:$0x3FDB];
	s0 =	simm.s32 @p2 $0x1  }
0x17: {  	s4 =	simm.s32 $0x1BF5;
	[smem:$0x3FB9] =	sst s0  }
0x18: {  	s0 =	sld [smem:$0x3F9C];
	_ =	swait.ge [sflag:s4], $0x0  }
0x19: {  	s7 =	sld [smem:$0x3F9D]  }
0x1a: {  	s8 =	sadd.s32 $0xFFFFE003, lr  }
0x1b: {  	s9 =	sadd.s32 $0xFFFFFEF7, lr;
	s5 =	simm.s32 $0xFFFFFFFF;
	p2 =	slt.u32 s8, $0xFFFFF086  }
0x1c: {  	p1 =	slt.u32 s9, $0xF7A;
	s5 =	simm.s32 @!p2 $0x0  }
0x1d: {  	s5 =	simm.s32 @p1 $0x1;
	p0 =	seq.s32 s7, s2  }
0x1e: {  	s7 =	smul.u32 @!p0 $0xF7A, s2;
	p2 =	seq.s32 @!p0 s5, $0x0  }
0x1f: {  	s9 =	smul.u32 $0xF7A, s1;
	s8 =	simm.s32 @!p0 $0x1BF5;
	p2 =	por !p2, p0  }
0x20: {  	[sflag:s8] =	ssyncset.s32 @!p0 $0xFFFFF086;
	s6 =	sadd.s32 @!p0 s3, s7;
	s7 =	simm.s32 @!p0 $0x108  }
0x21: {  	s3 =	sadd.s32 s3, s9;
	s6 =	sadd.s32 @!p0 $0x88, s6;
	s7 =	simm.s32 @p2 $0x1082  }
0x22: {  	[simem:s7], [sflag:s8] =	dma.local @!p0 [hbm:s6], $0xF7A  }
0x23: {  	s9 =	sor.u32 $0xD0000000, s2;
	s6 =	simm.s32 $0x108;
	_ =	swait.ge @!p0 [sflag:s8], $0x0  }
0x24: {  	s3 =	sadd.s32 $0x88, s3;
	s6 =	simm.s32 @!p1 $0x1082;
	[sflag:s4] =	ssyncset.s32 $0xFFFFF086  }
0x25: {  	[simem:s6], [sflag:s4] =	dma.local [hbm:s3], $0xF7A  }
0x26: {  	[smem:$0x3F9D] =	sst s1;
	(tag) =	ssettag s2;
	_ =	strace s9  }
0x27: {  	s1 =	sld [smem:$0x3FAD]  }
0x28: {  	s2 =	sld [smem:$0x3FAE]  }
0x29: {  	s4 =	sld [smem:$0x3FB0]  }
0x2a: {  	p0 =	seq.s32 s5, $0x0;
	s5 =	sld [smem:$0x3FB1]  }
0x2b: {  	s6 =	sld [smem:$0x3FB2]  }
0x2c: {  	s7 =	sld [smem:$0x3FB3]  }
0x2d: {  	s3 =	simm.s32 $0x108;
	s8 =	sld [smem:$0x3FB4]  }
0x2e: {  	s3 =	simm.s32 @!p0 $0x1082;
	s9 =	sld [smem:$0x3FB5]  }
0x2f: {  	lr =	sadd.s32 s0, s3;
	s0 =	sld [smem:$0x3FAC]  }
0x30: {  	s3 =	sld [smem:$0x3FAF]  }
0x31: {  	[smem:$0x3FB8] =	sst s10  }
0x32: {  	s10 =	sld [smem:$0x3FB6];
	_ =	sdelay $0x3  }
0x33: {  	p0 =	seq.s32 s10, $0x1;
	s10 =	sld [smem:$0x3FB8];
	_ =	sdelay $0x3  }
0x34: {  	[smem:$0x3FB8] =	sst s10  }
0x35: {  	s10 =	sld [smem:$0x3FB7];
	_ =	sdelay $0x3  }
0x36: {  	p1 =	seq.s32 s10, $0x1;
	s10 =	sld [smem:$0x3FB8];
	_ =	sdelay $0x3  }
0x37: {  	[smem:$0x3FB8] =	sst s10  }
0x38: {  	s10 =	sld [smem:$0x3FB9]  }
0x39: {  	_ = 	snop;
	(pc) =	sbr.ind lr, $3  }
0x3a: {  	_ = 	snop  }
0x3b: {  	_ = 	snop  }
0x3c: {  	p2 =	seq.s32 s10, $0x1;
	s10 =	sld [smem:$0x3FB8]  }
0x3d: {  	_ =	shalt  }
0x3e: {  	_ =	shalt  }
0x3f: {  	_ =	shalt  }
0x40: {  	_ =	shalt  }
0x41: {  	_ =	shalt  }
0x42: {  	_ =	shalt  }
0x43: {  	_ =	shalt  }
0x44: {  	_ =	shalt  }
0x45: {  	_ =	shalt  }
0x46: {  	_ =	shalt  }
0x47: {  	_ =	shalt  }
0x48: {  	_ =	shalt  }
0x49: {  	_ =	shalt  }
0x4a: {  	_ =	shalt  }
0x4b: {  	_ =	shalt  }
0x4c: {  	_ =	shalt  }
0x4d: {  	_ =	shalt  }
0x4e: {  	_ =	shalt  }
0x4f: {  	_ =	shalt  }
0x50: {  	_ =	shalt  }
0x51: {  	_ =	shalt  }
0x52: {  	_ =	shalt  }
0x53: {  	_ =	shalt  }
0x54: {  	_ =	shalt  }
0x55: {  	_ =	shalt  }
0x56: {  	_ =	shalt  }
0x57: {  	_ =	shalt  }
0x58: {  	_ =	shalt  }
0x59: {  	_ =	shalt  }
0x5a: {  	_ =	shalt  }
0x5b: {  	_ =	shalt  }
0x5c: {  	_ =	shalt  }
0x5d: {  	_ =	shalt  }
0x5e: {  	_ =	shalt  }
0x5f: {  	_ =	shalt  }
0x60: {  	_ =	shalt  }
0x61: {  	_ =	shalt  }
0x62: {  	_ =	shalt  }
0x63: {  	_ =	shalt  }
0x64: {  	_ =	shalt  }
0x65: {  	_ =	shalt  }
0x66: {  	_ =	shalt  }
0x67: {  	_ =	shalt  }
0x68: {  	_ =	shalt  }
0x69: {  	_ =	shalt  }
0x6a: {  	_ =	shalt  }
0x6b: {  	_ =	shalt  }
0x6c: {  	_ =	shalt  }
0x6d: {  	_ =	shalt  }
0x6e: {  	_ =	shalt  }
0x6f: {  	_ =	shalt  }
0x70: {  	_ =	shalt  }
0x71: {  	_ =	shalt  }
0x72: {  	_ =	shalt  }
0x73: {  	_ =	shalt  }
0x74: {  	_ =	shalt  }
0x75: {  	_ =	shalt  }
0x76: {  	_ =	shalt  }
0x77: {  	_ =	shalt  }
0x78: {  	_ =	shalt  }
0x79: {  	_ =	shalt  }
0x7a: {  	_ =	shalt  }
0x7b: {  	_ =	shalt  }
0x7c: {  	_ =	shalt  }
0x7d: {  	_ =	shalt  }
0x7e: {  	_ =	shalt  }
0x7f: {  	_ =	shalt  }
0x80: {  	_ =	shalt  }
0x81: {  	_ =	shalt  }
0x82: {  	_ =	shalt  }
0x83: {  	_ =	shalt  }
0x84: {  	_ =	shalt  }
0x85: {  	_ =	shalt  }
0x86: {  	_ =	shalt  }
0x87: {  	_ =	shalt  }
.Lfunc_end0:
.L_simem_size_0:
called_computation_lowered:
.L_overlay_start_0:
0x88: {  	s2 =	sld [smem:$0x3FD9]  }
0x89: {  	s3 =	sld [smem:$0x3FFE];
	_ =	sdelay $0x1  }
0x8a: {  	s1 =	srdreg.scid  }
0x8b: {  	s0 =	sand.u32 $0x1, s1  }
0x8c: {  	s17 =	sshll.u32 s0, $0xA;
	s2 =	sadd.s32 s3, s2  }
0x8d: {  	s2 =	sadd.s32 s2, s17  }
0x8e: {  	[smem:$0x3FC4] =	sst s2  }
0x8f: {  	_ = 	snop  }
0x90: {  	s18 =	sld [smem:$0x3FC8];
	(tm) =	ssettm $0x1  }
0x91: {  	s19 =	sld [smem:$0x3FFB];
	_ =	sdelay $0x3  }
0x92: {  	_ =	strace s19  }
0x93: {  	s2 =	sld [smem:$0x3FFC];
	_ =	sdelay $0x3  }
0x94: {  	_ =	strace s2  }
0x95: {  	s2 =	sld [smem:$0x3FFD];
	_ =	sdelay $0x3  }
0x96: {  	_ =	strace s2  }
0x97: {  	_ =	strace $0x8FFFFFFF  }
0x98: {  	s20 =	sld [smem:$0x3FDB];
	_ =	sdelay $0x1  }
0x99: {  	s4 =	simm.s32 $_scs_section_size  }
0x9a: {  	s5 =	simm.s32 $_size__tile_overlayer_lowered;
	s6 =	simm.s32 $_tile_overlayer_lowered  }
0x9b: {  	s7 =	simm.s32 $0x1BFF;
	s21 =	sshll.u32 s6, $0x1;
	s4 =	sadd.s32 s4, s20  }
0x9c: {  	s22 =	simm.s32 $0x0;
	s5 =	sshll.u32 s5, $0x1;
	s6 =	sadd.s32 s21, s4  }
0x9d: {  	[timem:s22], [sflag:s7] =	dma.local [hbm:s6], s5  }
0x9e: {  	_ =	swait.ge [sflag:s7], s5  }
0x9f: {  	s5 =	ssub.s32 $0x0, s5;
	[sflag:s7] =	ssyncset.done $0x0  }
0xa0: {  	[sflag:s7] =	ssyncadd.s32 s5;
	_ =	sdelay $0x1  }
0xa1: {  	s23 =	simm.s32 $0x1B8B  }
0xa2: {  	_ =	swait.ge [sflag:s23], $0x1  }
0xa3: {  	[sflag:s23] =	ssyncset.done $0x0  }
0xa4: {  	[sflag:s23] =	ssyncadd.s32 $0xFFFFFFFF  }
0xa5: {  	s5 =	sld [smem:$0x0]  }
0xa6: {  	s6 =	sand.u32 $0xFFFFFFFE, s1  }
0xa7: {  	p0 =	sne.s32 s1, s6  }
0xa8: {  	s6 =	sshll.u32 @p0 s6, $0xE  }
0xa9: {  	s6 =	sadd.s32 @p0 $0x11B8D, s6;
	s7 =	sshll.u32 @p0 s5, $0x11  }
0xaa: {  	s6 =	sor.u32 @p0 s7, s6  }
0xab: {  	[sflag:s6] =	ssyncadd.remote.s32 @p0 $0x1;
	_ =	sdelay $0x1  }
0xac: {  	s6 =	simm.s32 @p0 $0x1B8D  }
0xad: {  	_ =	swait.eq @p0 [sflag:s6], $0x1  }
0xae: {  	[sflag:s6] =	ssyncadd.s32 @p0 $0xFFFFFFFF  }
0xaf: {  	s7 =	sshll.u32 @!p0 s1, $0xE  }
0xb0: {  	s7 =	sor.u32 @!p0 $0x4000, s7;
	s6 =	simm.s32 @!p0 $0x1B8D  }
0xb1: {  	s5 =	sshll.u32 @!p0 s5, $0x11;
	s7 =	sadd.s32 @!p0 $0x11B8D, s7;
	_ =	swait.eq @!p0 [sflag:s6], $0x1  }
0xb2: {  	s5 =	sor.u32 @!p0 s5, s7;
	[sflag:s6] =	ssyncadd.s32 @!p0 $0xFFFFFFFF  }
0xb3: {  	s25 =	simm.s32 $0x1B8E;
	s24 =	sld [smem:$0x3FFE];
	[sflag:s5] =	ssyncadd.remote.s32 @!p0 $0x1  }
0xb4: {  	s26 =	simm.s32 $execute0_lowered;
	[smem:$0x3FD2] =	sst s25  }
0xb5: {  	s6 =	sshll.u32 s26, $0x1;
	_ =	strace $0x80000049;
	[dreg:$0x1] =	wrdreg $0xFFFFFFFF  }
0xb6: {  	s28 =	simm.s32 $_size_execute0_lowered;
	s4 =	sadd.s32 s4, s6;
	[dreg:$0x0] =	wrdreg $0x0  }
0xb7: {  	s6 =	sshll.u32 s28, $0x1;
	[dreg:$0x2] =	wrdreg s4  }
0xb8: {  	[dreg:$0x3] =	wrdreg s6  }
0xb9: {  	[dreg:$0x4] =	wrdreg $0xC0  }
0xba: {  	_ =	task [dreg:s22], $0x5FFFF  }
0xbb: {  	[dreg:$0x1] =	wrdreg $0xFFFFFFFF  }
0xbc: {  	[dreg:$0x0] =	wrdreg $0x60  }
0xbd: {  	[dreg:$0x2] =	wrdreg s24  }
0xbe: {  	[dreg:$0x3] =	wrdreg s18  }
0xbf: {  	[dreg:$0x4] =	wrdreg $0x9  }
0xc0: {  	_ =	task.clear_ibuf [dreg:s22], $0x5FFFF;
	_ =	strace $0x90000049  }
0xc1: {  	s29 =	simm.s32 $0x9;
	_ =	strace $0x8000004B  }
0xc2: {  	_ =	swait.ge [sflag:s29], $0x1  }
0xc3: {  	[sflag:s29] =	ssyncadd.s32 $0xFFFFFFFF  }
0xc4: {  	_ =	strace $0x9000004B  }
0xc5: {  	_ =	sfence  }
0xc6: {  	s30 =	sld [smem:$0x0];
	_ =	sdelay $0x2  }
0xc7: {  	s31 =	sshll.u32 s1, $0xD;
	s1 =	sshrl.u32 s1, $0x2  }
0xc8: {  	s4 =	sand.u32 $0x4000, s31;
	s1 =	sadd.s32 s1, s30  }
0xc9: {  	s0 =	sor.u32 s4, s0;
	s1 =	sshll.u32 s1, $0x11  }
0xca: {  	s0 =	sor.u32 s1, s0  }
0xcb: {  	s0 =	sadd.s32 $0x8F2B, s0  }
0xcc: {  	[sflag:s0] =	ssyncadd.remote.s32 $0x1  }
0xcd: {  	_ =	sfence.sel $0xFFFF  }
0xce: {  	[dreg:$0x0] =	wrdreg $0xFFFFFFFF;
	(pc) =	sbr.abs _section_cstart, $3  }
0xcf: {  	[dreg:$0x1] =	wrdreg $0xFFFFFFFF  }
0xd0: {  	_ =	task.clear_ibuf [dreg:s22], $0x2FFFF;
	_ =	strace $0x9FFFFFFF  }
0xd1: {  	(tm) =	ssettm $0x7FFFFFFF  }
tec
execute0_lowered:
.L_overlay_start_1:
0x0: {  	(tag) =	ssettag $0x1  }
0x1: {  	s1 =	srdreg.scid  }
0x2: {  	s5 =	rddreg [dreg:$0x0];
	s0 =	stileid.u32  }
0x3: {  	s2 =	rddreg [dreg:$0x1];
	s3 =	simm.s32 $0x0;
	s10 =	simm.s32 $0x100  }
0x4: {  	s11 =	simm.s32 $0x80;
	s12 =	simm.s32 $0x200;
	s13 =	simm.s32 $0x300  }
0x5: {  	s14 =	simm.s32 $0x1;
	s15 =	simm.s32 $0x280;
	s6 =	sand.u32 $0x1, s1  }
0x6: {  	s16 =	simm.s32 $0x4300;
	s4 =	sshll.u32 s0, $0x9;
	s7 =	sshll.u32 s6, $0x8  }
0x7: {  	s17 =	simm.s32 $0x0;
	[smem:$0x7FF] =	sst s3;
	s7 =	sor.u32 s7, s4  }
0x8: {  	s1 =	rddreg [dreg:$0x2];
	_ =	strace $0x8000004A;
	s4 =	sor.u32 $0x2000, s7  }
0x9: {  	s6 =	ssub.s32 $0x2, s6;
	s7 =	sshll.u32 s7, $0x4;
	s8 =	sshrl.u32 s4, $0x3  }
0xa: {  	s9 =	sshrl.u32 s6, $0x1;
	s7 =	sadd.s32 s7, s5;
	s8 =	sadd.s32 s8, s5  }
0xb: {  	s9 =	ssub.s32 s6, s9;
	s7 =	sadd.s32 $0x2000, s7;
	s5 =	sadd.s32 $0x1000, s8  }
0xc: {  	v0 =	vlaneseq.u32;
	s6 =	sadd.s32 $0x1800, s8;
	s8 =	smax.u32 s9, $0x1;
	s9 =	simm.s32 $0x2  }
.LBB2_1:
0xd: {  	[tilespmem:s3], [sflag:$0x2] =	stream.linear.gather [hbm4b:s5+s3], $0x100, $0x38;
	[tilespmem:$0x8300] =	vst v63  }
0xe: {  	_ =	swait.ge [sflag:s9], $0x100  }
0xf: {  	[sflag:s9] =	ssyncset.done $0x0  }
0x10: {  	[sflag:s9] =	ssyncadd.s32 $0xFFFFFF00  }
0x11: {  	[tilespmem:s10], [sflag:$0x2] =	stream.linear.gather [hbm4b:s6+s3], $0x100, $0x38;
	[tilespmem:$0x8300] =	vst v63  }
0x12: {  	_ =	swait.ge [sflag:s9], $0x100  }
0x13: {  	[sflag:s9] =	ssyncset.done $0x0  }
0x14: {  	s18 =	simm.s32 $0x0;
	[sflag:s9] =	ssyncadd.s32 $0xFFFFFF00  }
0x15: {  	v1 =	vld [tilespmem:s18+$0x0]  }
0x16: {  	v2 =	vld [tilespmem:s18+$0x100];
	_ =	sdelay $0x3  }
0x17: {  	v1 =	vmul.u32 $0x8DD9, v1  }
0x18: {  	v2 =	vmul.u32 $0x6A37, v2  }
0x19: {  	v3 =	vshrl.u32 v1, $0x5  }
0x1a: {  	v4 =	vshrl.u32 v2, $0x5;
	v3 =	vmulhi.u32 $0xA7C5AC5, v3  }
0x1b: {  	v4 =	vmulhi.u32 $0xA7C5AC5, v4;
	_ =	sdelay $0x1  }
0x1c: {  	v3 =	vshrl.u32 v3, $0x7;
	v4 =	vshrl.u32 v4, $0x7  }
0x1d: {  	v3 =	vmul.u32 $0x186A0, v3;
	v4 =	vmul.u32 $0x186A0, v4;
	_ =	sdelay $0x1  }
0x1e: {  	s30 =	sadd.s32 $0x0, s4;
	v1 =	vsub.s32 v1, v3;
	v2 =	vsub.s32 v2, v4  }
0x1f: {  	v1 =	vadd.s32 v1, v2;
	v2 =	vor.u32 s30, v0  }
0x20: {  	s31 =	sand.u32 $0x200, s3;
	v3 =	vadd.s32 $0xFFFE7960, v1;
	v2 =	vand.u32 $0xFFF, v2  }
0x21: {  	s19 =	sand.u32 $0x70, s3;
	s18 =	sshrl.u32 s31, $0x2;
	v1 =	vmin.u32 v1, v3;
	vm0 =	veq.s32 v2, $0x0  }
0x22: {  	s18 =	sor.u32 s19, s18;
	v1 =	vsel vm0, $0x0, v1  }
0x23: {  	s21 =	simm.s32 $0x10;
	[tilespmem:s18+$0x200] =	vst v1  }
0x24: {  	s20 =	simm.s32 $0x80;
	s19 =	simm.s32 $0x0;
	s18 =	simm.s32 $0x40;
	v1 =	vld [tilespmem:s21+$0x0]  }
.LBB2_2:
0x25: {  	p0 =	sne.s32 s20, $0x3C0;
	v2 =	vld [tilespmem:s21+$0x100];
	_ =	sdelay $0x3  }
0x26: {  	v1 =	vmul.u32 $0x8DD9, v1  }
0x27: {  	v2 =	vmul.u32 $0x6A37, v2  }
0x28: {  	v3 =	vshrl.u32 v1, $0x5  }
0x29: {  	v3 =	vmulhi.u32 $0xA7C5AC5, v3;
	v4 =	vshrl.u32 v2, $0x5  }
0x2a: {  	v4 =	vmulhi.u32 $0xA7C5AC5, v4;
	_ =	sdelay $0x1  }
0x2b: {  	v3 =	vshrl.u32 v3, $0x7;
	v4 =	vshrl.u32 v4, $0x7  }
0x2c: {  	v3 =	vmul.u32 $0x186A0, v3;
	v4 =	vmul.u32 $0x186A0, v4  }
0x2d: {  	s19 =	sadd.s32 $0x10, s19  }
0x2e: {  	s21 =	sadd.s32 s19, s4;
	v1 =	vsub.s32 v1, v3;
	v2 =	vsub.s32 v2, v4  }
0x2f: {  	v1 =	vadd.s32 v1, v2;
	v2 =	vor.u32 s21, v0  }
.Ltmp0:
0x30: {  	s21 =	sand.u32 $0x200, s18;
	s18 =	smov.u32 s20;
	v3 =	vadd.s32 $0xFFFE7960, v1;
	v2 =	vand.u32 $0xFFF, v2;
	(pc) =	sbr.rel @p0 .LBB2_2-.Ltmp0, $4  }
0x31: {  	s22 =	sand.u32 $0x70, s19;
	s21 =	sshrl.u32 s21, $0x2;
	v1 =	vmin.u32 v1, v3;
	vm0 =	veq.s32 v2, $0x0  }
0x32: {  	s22 =	sor.u32 s22, s21;
	v1 =	vsel vm0, $0x0, v1  }
0x33: {  	s21 =	sshra.s32 s20, $0x2;
	[tilespmem:s22+$0x200] =	vst v1  }
0x34: {  	s20 =	sadd.s32 $0x40, s20;
	v1 =	vld [tilespmem:s21+$0x0]  }
0x35: {  	v2 =	vld [tilespmem:s21+$0x100];
	_ =	sdelay $0x3  }
0x36: {  	v1 =	vmul.u32 $0x8DD9, v1  }
0x37: {  	v2 =	vmul.u32 $0x6A37, v2  }
0x38: {  	v3 =	vshrl.u32 v1, $0x5  }
0x39: {  	v3 =	vmulhi.u32 $0xA7C5AC5, v3;
	v4 =	vshrl.u32 v2, $0x5  }
0x3a: {  	v4 =	vmulhi.u32 $0xA7C5AC5, v4;
	_ =	sdelay $0x1  }
0x3b: {  	v3 =	vshrl.u32 v3, $0x7;
	v4 =	vshrl.u32 v4, $0x7  }
0x3c: {  	v3 =	vmul.u32 $0x186A0, v3;
	v4 =	vmul.u32 $0x186A0, v4  }
0x3d: {  	s19 =	sadd.s32 $0x10, s19  }
0x3e: {  	s20 =	sadd.s32 s19, s4;
	v1 =	vsub.s32 v1, v3;
	v2 =	vsub.s32 v2, v4  }
0x3f: {  	v1 =	vadd.s32 v1, v2;
	v2 =	vor.u32 s20, v0  }
0x40: {  	s18 =	sand.u32 $0x200, s18;
	v3 =	vadd.s32 $0xFFFE7960, v1;
	v2 =	vand.u32 $0xFFF, v2  }
0x41: {  	s19 =	sand.u32 $0x70, s19;
	s18 =	sshrl.u32 s18, $0x2;
	v1 =	vmin.u32 v1, v3;
	vm0 =	veq.s32 v2, $0x0  }
0x42: {  	s18 =	sor.u32 s19, s18;
	v1 =	vsel vm0, $0x0, v1  }
0x43: {  	[tilespmem:s18+$0x200] =	vst v1  }
0x44: {  	[tilespmem:s13], [sflag:$0x1] =	stream.indirect.gather [hbm4b:s2+s11], $0x80, s12, s11, $0xb8;
	[tilespmem:$0x8300] =	vst v63  }
0x45: {  	_ =	swait.ge [sflag:s14], $0x4000  }
0x46: {  	[sflag:s14] =	ssyncset.done $0x0  }
0x47: {  	[sflag:s14] =	ssyncadd.s32 $0xFFFFC000  }
0x48: {  	[tilespmem:s16], [sflag:$0x1] =	stream.indirect.gather [hbm4b:s2+s11], $0x80, s15, s11, $0xb8;
	[tilespmem:$0x8300] =	vst v63  }
0x49: {  	s17 =	sadd.s32 $0x1, s17;
	_ =	swait.ge [sflag:s14], $0x4000  }
0x4a: {  	p0 =	sne.s32 s17, s8;
	[sflag:s14] =	ssyncset.done $0x0  }
.Ltmp1:
0x4b: {  	[sflag:s14] =	ssyncadd.s32 $0xFFFFC000;
	(pc) =	sbr.rel @p0 .LBB2_1-.Ltmp1, $4  }
0x4c: {  	[hbm4b:s7+s3] =	stream.linear.scatter [tilespmem:s13], [sflag:$0x2], $0x8000, $0x38;
	[tilespmem:$0x8300] =	vst v63  }
0x4d: {  	_ =	swait.ge [sflag:s9], $0x8000  }
0x4e: {  	[sflag:s9] =	ssyncset.done $0x0  }
0x4f: {  	[sflag:s9] =	ssyncadd.s32 $0xFFFF8000  }
0x50: {  	_ =	sfence.sel $0x180000  }
0x51: {  	[bflag:$0x0] =	sbarrier.arrive $0xFFFF  }
0x52: {  	p0 =	sne.s32 s0, $0x0;
	_ =	strace $0x9000004A  }
0x53: {  	s0 =	sadd.s32 @!p0 $0x100000, s1;
	[bflag:$0x2] =	sbarrier.arrive $0xFFFF  }
0x54: {  	[sflag:s0] =	ssyncadd.tile.s32 @!p0 $0x1;
	_ =	shalt  }
.Lfunc_end2:
_tile_overlayer_lowered:
.L_overlay_start_2:
0x55: {  	(tag) =	ssettag $0x2  }
0x56: {  	s0 =	rddreg [dreg:$0x0];
	s2 =	stileid.u32  }
0x57: {  	s1 =	rddreg [dreg:$0x1];
	p0 =	sne.s32 s2, $0x0  }
0x58: {  	s3 =	rddreg [dreg:$0x2];
	[bflag:$0x3] =	sbarrier.arrive $0xFFFF;
	s2 =	simm.s32 @!p0 $0x1C02  }
0x59: {  	[timem:s3], [sflag:s2] =	dma.local @!p0 [hbm:s0], s1  }
0x5a: {  	s0 =	simm.s32 @!p0 $0x2  }
0x5b: {  	_ =	swait.ge @!p0 [sflag:s0], s1  }
0x5c: {  	s1 =	ssub.s32 @!p0 $0x0, s1;
	[sflag:s0] =	ssyncset.done @!p0 $0x0  }
0x5d: {  	[sflag:s0] =	ssyncadd.s32 @!p0 s1  }
0x5e: {  	[bflag:$0x3] =	sbarrier.arrive $0xFFFF  }
0x5f: {  	_ =	shalt  }

// kernel: kernel.9.cloned.1.call-start
scs
__scs_entry_jumppad:
0x0: {  	(pc) =	sbr.rel $0x88, $3  }
0x1: {  	(tag) =	ssettag $0x0;
	lr =	simm.s32 $0x1  }
0x2: {  	[smem:$0x3F9D] =	sst lr;
	_ =	strace $0xD0000000  }
0x3: {  	_ = 	snop  }
0x4: {  	_ = 	snop  }
0x5: {  	_ = 	snop  }
0x6: {  	_ = 	snop  }
0x7: {  	_ = 	snop  }
__scs_overlays_trampoline_lowered:
0x8: {  	[smem:$0x3FAC] =	sst s0  }
0x9: {  	[smem:$0x3FAD] =	sst s1  }
0xa: {  	[smem:$0x3FAE] =	sst s2  }
0xb: {  	[smem:$0x3FAF] =	sst s3  }
0xc: {  	[smem:$0x3FB0] =	sst s4  }
0xd: {  	[smem:$0x3FB1] =	sst s5  }
0xe: {  	[smem:$0x3FB2] =	sst s6  }
0xf: {  	[smem:$0x3FB3] =	sst s7  }
0x10: {  	[smem:$0x3FB4] =	sst s8  }
0x11: {  	[smem:$0x3FB5] =	sst s9;
	s0 =	simm.s32 @!p0 $0x0  }
0x12: {  	s1 =	sld [smem:$0x3F9B];
	s0 =	simm.s32 @p0 $0x1  }
0x13: {  	[smem:$0x3FB6] =	sst s0;
	s0 =	simm.s32 @!p1 $0x0  }
0x14: {  	s2 =	sld [smem:$0x3F9A];
	s0 =	simm.s32 @p1 $0x1  }
0x15: {  	[smem:$0x3FB7] =	sst s0;
	s0 =	simm.s32 @!p2 $0x0  }
0x16: {  	s3 =	sld [smem:$0x3FDB];
	s0 =	simm.s32 @p2 $0x1  }
0x17: {  	s4 =	simm.s32 $0x1BF5;
	[smem:$0x3FB9] =	sst s0  }
0x18: {  	s0 =	sld [smem:$0x3F9C];
	_ =	swait.ge [sflag:s4], $0x0  }
0x19: {  	s7 =	sld [smem:$0x3F9D]  }
0x1a: {  	s8 =	sadd.s32 $0xFFFFE003, lr  }
0x1b: {  	s9 =	sadd.s32 $0xFFFFFEF7, lr;
	s5 =	simm.s32 $0xFFFFFFFF;
	p2 =	slt.u32 s8, $0xFFFFF086  }
0x1c: {  	p1 =	slt.u32 s9, $0xF7A;
	s5 =	simm.s32 @!p2 $0x0  }
0x1d: {  	s5 =	simm.s32 @p1 $0x1;
	p0 =	seq.s32 s7, s2  }
0x1e: {  	s7 =	smul.u32 @!p0 $0xF7A, s2;
	p2 =	seq.s32 @!p0 s5, $0x0  }
0x1f: {  	s9 =	smul.u32 $0xF7A, s1;
	s8 =	simm.s32 @!p0 $0x1BF5;
	p2 =	por !p2, p0  }
0x20: {  	[sflag:s8] =	ssyncset.s32 @!p0 $0xFFFFF086;
	s6 =	sadd.s32 @!p0 s3, s7;
	s7 =	simm.s32 @!p0 $0x108  }
0x21: {  	s3 =	sadd.s32 s3, s9;
	s6 =	sadd.s32 @!p0 $0x88, s6;
	s7 =	simm.s32 @p2 $0x1082  }
0x22: {  	[simem:s7], [sflag:s8] =	dma.local @!p0 [hbm:s6], $0xF7A  }
0x23: {  	s9 =	sor.u32 $0xD0000000, s2;
	s6 =	simm.s32 $0x108;
	_ =	swait.ge @!p0 [sflag:s8], $0x0  }
0x24: {  	s3 =	sadd.s32 $0x88, s3;
	s6 =	simm.s32 @!p1 $0x1082;
	[sflag:s4] =	ssyncset.s32 $0xFFFFF086  }
0x25: {  	[simem:s6], [sflag:s4] =	dma.local [hbm:s3], $0xF7A  }
0x26: {  	[smem:$0x3F9D] =	sst s1;
	(tag) =	ssettag s2;
	_ =	strace s9  }
0x27: {  	s1 =	sld [smem:$0x3FAD]  }
0x28: {  	s2 =	sld [smem:$0x3FAE]  }
0x29: {  	s4 =	sld [smem:$0x3FB0]  }
0x2a: {  	p0 =	seq.s32 s5, $0x0;
	s5 =	sld [smem:$0x3FB1]  }
0x2b: {  	s6 =	sld [smem:$0x3FB2]  }
0x2c: {  	s7 =	sld [smem:$0x3FB3]  }
0x2d: {  	s3 =	simm.s32 $0x108;
	s8 =	sld [smem:$0x3FB4]  }
0x2e: {  	s3 =	simm.s32 @!p0 $0x1082;
	s9 =	sld [smem:$0x3FB5]  }
0x2f: {  	lr =	sadd.s32 s0, s3;
	s0 =	sld [smem:$0x3FAC]  }
0x30: {  	s3 =	sld [smem:$0x3FAF]  }
0x31: {  	[smem:$0x3FB8] =	sst s10  }
0x32: {  	s10 =	sld [smem:$0x3FB6];
	_ =	sdelay $0x3  }
0x33: {  	p0 =	seq.s32 s10, $0x1;
	s10 =	sld [smem:$0x3FB8];
	_ =	sdelay $0x3  }
0x34: {  	[smem:$0x3FB8] =	sst s10  }
0x35: {  	s10 =	sld [smem:$0x3FB7];
	_ =	sdelay $0x3  }
0x36: {  	p1 =	seq.s32 s10, $0x1;
	s10 =	sld [smem:$0x3FB8];
	_ =	sdelay $0x3  }
0x37: {  	[smem:$0x3FB8] =	sst s10  }
0x38: {  	s10 =	sld [smem:$0x3FB9]  }
0x39: {  	_ = 	snop;
	(pc) =	sbr.ind lr, $3  }
0x3a: {  	_ = 	snop  }
0x3b: {  	_ = 	snop  }
0x3c: {  	p2 =	seq.s32 s10, $0x1;
	s10 =	sld [smem:$0x3FB8]  }
0x3d: {  	_ =	shalt  }
0x3e: {  	_ =	shalt  }
0x3f: {  	_ =	shalt  }
0x40: {  	_ =	shalt  }
0x41: {  	_ =	shalt  }
0x42: {  	_ =	shalt  }
0x43: {  	_ =	shalt  }
0x44: {  	_ =	shalt  }
0x45: {  	_ =	shalt  }
0x46: {  	_ =	shalt  }
0x47: {  	_ =	shalt  }
0x48: {  	_ =	shalt  }
0x49: {  	_ =	shalt  }
0x4a: {  	_ =	shalt  }
0x4b: {  	_ =	shalt  }
0x4c: {  	_ =	shalt  }
0x4d: {  	_ =	shalt  }
0x4e: {  	_ =	shalt  }
0x4f: {  	_ =	shalt  }
0x50: {  	_ =	shalt  }
0x51: {  	_ =	shalt  }
0x52: {  	_ =	shalt  }
0x53: {  	_ =	shalt  }
0x54: {  	_ =	shalt  }
0x55: {  	_ =	shalt  }
0x56: {  	_ =	shalt  }
0x57: {  	_ =	shalt  }
0x58: {  	_ =	shalt  }
0x59: {  	_ =	shalt  }
0x5a: {  	_ =	shalt  }
0x5b: {  	_ =	shalt  }
0x5c: {  	_ =	shalt  }
0x5d: {  	_ =	shalt  }
0x5e: {  	_ =	shalt  }
0x5f: {  	_ =	shalt  }
0x60: {  	_ =	shalt  }
0x61: {  	_ =	shalt  }
0x62: {  	_ =	shalt  }
0x63: {  	_ =	shalt  }
0x64: {  	_ =	shalt  }
0x65: {  	_ =	shalt  }
0x66: {  	_ =	shalt  }
0x67: {  	_ =	shalt  }
0x68: {  	_ =	shalt  }
0x69: {  	_ =	shalt  }
0x6a: {  	_ =	shalt  }
0x6b: {  	_ =	shalt  }
0x6c: {  	_ =	shalt  }
0x6d: {  	_ =	shalt  }
0x6e: {  	_ =	shalt  }
0x6f: {  	_ =	shalt  }
0x70: {  	_ =	shalt  }
0x71: {  	_ =	shalt  }
0x72: {  	_ =	shalt  }
0x73: {  	_ =	shalt  }
0x74: {  	_ =	shalt  }
0x75: {  	_ =	shalt  }
0x76: {  	_ =	shalt  }
0x77: {  	_ =	shalt  }
0x78: {  	_ =	shalt  }
0x79: {  	_ =	shalt  }
0x7a: {  	_ =	shalt  }
0x7b: {  	_ =	shalt  }
0x7c: {  	_ =	shalt  }
0x7d: {  	_ =	shalt  }
0x7e: {  	_ =	shalt  }
0x7f: {  	_ =	shalt  }
0x80: {  	_ =	shalt  }
0x81: {  	_ =	shalt  }
0x82: {  	_ =	shalt  }
0x83: {  	_ =	shalt  }
0x84: {  	_ =	shalt  }
0x85: {  	_ =	shalt  }
0x86: {  	_ =	shalt  }
0x87: {  	_ =	shalt  }
.Lfunc_end0:
.L_simem_size_0:
called_computation.1_lowered:
.L_overlay_start_0:
0x88: {  	s2 =	sld [smem:$0x3FD9]  }
0x89: {  	s3 =	sld [smem:$0x3FFE];
	_ =	sdelay $0x1  }
0x8a: {  	s1 =	srdreg.scid  }
0x8b: {  	s0 =	sand.u32 $0x1, s1  }
0x8c: {  	s17 =	sshll.u32 s0, $0xA;
	s2 =	sadd.s32 s3, s2  }
0x8d: {  	s2 =	sadd.s32 s2, s17  }
0x8e: {  	[smem:$0x3FC4] =	sst s2  }
0x8f: {  	_ = 	snop  }
0x90: {  	s2 =	sld [smem:$0x3FC8]  }
0x91: {  	s18 =	sld [smem:$0x3FD0];
	(tm) =	ssettm $0x1  }
0x92: {  	s4 =	sld [smem:$0x3FFB];
	_ =	sdelay $0x3  }
0x93: {  	_ =	strace s4  }
0x94: {  	s4 =	sld [smem:$0x3FFC];
	_ =	sdelay $0x3  }
0x95: {  	_ =	strace s4  }
0x96: {  	s4 =	sld [smem:$0x3FFD];
	_ =	sdelay $0x3  }
0x97: {  	_ =	strace s4  }
0x98: {  	_ =	strace $0x8FFFFFFF  }
0x99: {  	s19 =	sld [smem:$0x3FDB];
	_ =	sdelay $0x1  }
0x9a: {  	s5 =	simm.s32 $_scs_section_size  }
0x9b: {  	s6 =	simm.s32 $_size__tile_overlayer_lowered;
	s7 =	simm.s32 $_tile_overlayer_lowered  }
0x9c: {  	s22 =	simm.s32 $0x1BFF;
	s21 =	sshll.u32 s7, $0x1;
	s4 =	sadd.s32 s5, s19  }
0x9d: {  	s8 =	simm.s32 $0x0;
	s20 =	sshll.u32 s6, $0x1;
	s6 =	sadd.s32 s21, s4  }
0x9e: {  	[timem:s8], [sflag:s22] =	dma.local [hbm:s6], s20  }
0x9f: {  	_ =	swait.ge [sflag:s22], s20  }
0xa0: {  	s5 =	ssub.s32 $0x0, s20;
	[sflag:s22] =	ssyncset.done $0x0  }
0xa1: {  	[sflag:s22] =	ssyncadd.s32 s5;
	_ =	sdelay $0x1  }
0xa2: {  	s23 =	simm.s32 $0x1B8B  }
0xa3: {  	_ =	swait.ge [sflag:s23], $0x1  }
0xa4: {  	[sflag:s23] =	ssyncset.done $0x0  }
0xa5: {  	s25 =	simm.s32 $0x1B8E;
	s24 =	sld [smem:$0x3FFE];
	[sflag:s23] =	ssyncadd.s32 $0xFFFFFFFF  }
0xa6: {  	s26 =	simm.s32 $execute0_lowered;
	[smem:$0x3FD2] =	sst s25  }
0xa7: {  	s6 =	sshll.u32 s26, $0x1;
	_ =	strace $0x80000046;
	[dreg:$0x1] =	wrdreg $0xFFFFFFFF  }
0xa8: {  	s28 =	simm.s32 $_size_execute0_lowered;
	s4 =	sadd.s32 s4, s6;
	[dreg:$0x0] =	wrdreg $0x0  }
0xa9: {  	s6 =	sshll.u32 s28, $0x1;
	[dreg:$0x2] =	wrdreg s4  }
0xaa: {  	[dreg:$0x3] =	wrdreg s6  }
0xab: {  	[dreg:$0x4] =	wrdreg $0xC0  }
0xac: {  	_ =	task [dreg:s8], $0x5FFFF  }
0xad: {  	[dreg:$0x1] =	wrdreg $0xFFFFFFFF  }
0xae: {  	[dreg:$0x0] =	wrdreg $0x60  }
0xaf: {  	[dreg:$0x2] =	wrdreg s24  }
0xb0: {  	[dreg:$0x3] =	wrdreg s2  }
0xb1: {  	[dreg:$0x4] =	wrdreg s18  }
0xb2: {  	[dreg:$0x5] =	wrdreg $0xA  }
0xb3: {  	_ =	task.clear_ibuf [dreg:s8], $0x6FFFF;
	_ =	strace $0x90000046  }
0xb4: {  	s29 =	simm.s32 $0xA;
	_ =	strace $0x80000048  }
0xb5: {  	_ =	swait.ge [sflag:s29], $0x1  }
0xb6: {  	[sflag:s29] =	ssyncadd.s32 $0xFFFFFFFF  }
0xb7: {  	_ =	strace $0x90000048  }
0xb8: {  	_ =	sfence  }
0xb9: {  	s30 =	sld [smem:$0x0];
	_ =	sdelay $0x2  }
0xba: {  	s31 =	sshll.u32 s1, $0xD;
	s1 =	sshrl.u32 s1, $0x2  }
0xbb: {  	s3 =	sand.u32 $0x4000, s31;
	s1 =	sadd.s32 s1, s30  }
0xbc: {  	s0 =	sor.u32 s3, s0;
	s1 =	sshll.u32 s1, $0x11  }
0xbd: {  	s0 =	sor.u32 s1, s0  }
0xbe: {  	s0 =	sadd.s32 $0x8F2B, s0  }
0xbf: {  	[sflag:s0] =	ssyncadd.remote.s32 $0x1  }
0xc0: {  	_ =	sfence.sel $0xFFFF  }
0xc1: {  	[dreg:$0x0] =	wrdreg $0xFFFFFFFF;
	(pc) =	sbr.abs _section_cstart, $3  }
0xc2: {  	[dreg:$0x1] =	wrdreg $0xFFFFFFFF  }
0xc3: {  	_ =	task.clear_ibuf [dreg:s8], $0x2FFFF;
	_ =	strace $0x9FFFFFFF  }
0xc4: {  	(tm) =	ssettm $0x7FFFFFFF  }
0xc5: {  	_ =	shalt  }
tec
execute0_lowered:
.L_overlay_start_1:
0x0: {  	(tag) =	ssettag $0x1  }
0x1: {  	s5 =	rddreg [dreg:$0x0]  }
0x2: {  	s1 =	srdreg.scid;
	s2 =	rddreg [dreg:$0x1]  }
0x3: {  	s0 =	stileid.u32;
	s7 =	rddreg [dreg:$0x2]  }
0x4: {  	s3 =	simm.s32 $0x0;
	s11 =	simm.s32 $0x80;
	s12 =	simm.s32 $0x200  }
0x5: {  	s13 =	simm.s32 $0x300;
	s14 =	simm.s32 $0x1;
	s15 =	simm.s32 $0x280  }
0x6: {  	s16 =	simm.s32 $0x4300;
	s17 =	simm.s32 $0x0;
	s6 =	sand.u32 $0x1, s1  }
0x7: {  	s4 =	sshll.u32 s0, $0x9;
	s1 =	rddreg [dreg:$0x3];
	s8 =	sshll.u32 s6, $0x8  }
0x8: {  	[smem:$0x7FF] =	sst s3;
	s6 =	ssub.s32 $0x2, s6;
	s4 =	sor.u32 s8, s4  }
0x9: {  	_ =	strace $0x80000047;
	s31 =	sshrl.u32 s6, $0x1;
	s8 =	sshrl.u32 s4, $0x3  }
0xa: {  	s9 =	ssub.s32 s6, s31;
	s10 =	sshll.u32 s4, $0x4;
	s8 =	sadd.s32 s8, s5  }
0xb: {  	s7 =	sadd.s32 s7, s10;
	s10 =	simm.s32 $0x100;
	s5 =	sadd.s32 $0x1000, s8  }
0xc: {  	v0 =	vlaneseq.u32;
	s6 =	sadd.s32 $0x1800, s8;
	s8 =	smax.u32 s9, $0x1;
	s9 =	simm.s32 $0x2  }
.LBB2_1:
0xd: {  	[tilespmem:s3], [sflag:$0x2] =	stream.linear.gather [hbm4b:s5+s3], $0x100, $0x38;
	[tilespmem:$0x8300] =	vst v63  }
0xe: {  	_ =	swait.ge [sflag:s9], $0x100  }
0xf: {  	[sflag:s9] =	ssyncset.done $0x0  }
0x10: {  	[sflag:s9] =	ssyncadd.s32 $0xFFFFFF00  }
0x11: {  	[tilespmem:s10], [sflag:$0x2] =	stream.linear.gather [hbm4b:s6+s3], $0x100, $0x38;
	[tilespmem:$0x8300] =	vst v63  }
0x12: {  	_ =	swait.ge [sflag:s9], $0x100  }
0x13: {  	[sflag:s9] =	ssyncset.done $0x0  }
0x14: {  	s18 =	simm.s32 $0x0;
	[sflag:s9] =	ssyncadd.s32 $0xFFFFFF00  }
0x15: {  	v1 =	vld [tilespmem:s18+$0x0]  }
0x16: {  	v2 =	vld [tilespmem:s18+$0x100];
	_ =	sdelay $0x3  }
0x17: {  	v1 =	vmul.u32 $0x8DD9, v1  }
0x18: {  	v2 =	vmul.u32 $0x6A37, v2  }
0x19: {  	v3 =	vshrl.u32 v1, $0x5  }
0x1a: {  	v4 =	vshrl.u32 v2, $0x5;
	v3 =	vmulhi.u32 $0xA7C5AC5, v3  }
0x1b: {  	v4 =	vmulhi.u32 $0xA7C5AC5, v4;
	_ =	sdelay $0x1  }
0x1c: {  	v3 =	vshrl.u32 v3, $0x7;
	v4 =	vshrl.u32 v4, $0x7  }
0x1d: {  	v3 =	vmul.u32 $0x186A0, v3;
	v4 =	vmul.u32 $0x186A0, v4;
	_ =	sdelay $0x1  }
0x1e: {  	s30 =	sadd.s32 $0x0, s4;
	v1 =	vsub.s32 v1, v3;
	v2 =	vsub.s32 v2, v4  }
0x1f: {  	v1 =	vadd.s32 v1, v2;
	v2 =	vor.u32 s30, v0  }
0x20: {  	s31 =	sand.u32 $0x200, s3;
	v3 =	vadd.s32 $0xFFFE7960, v1;
	v2 =	vand.u32 $0xFFF, v2  }
0x21: {  	s19 =	sand.u32 $0x70, s3;
	s18 =	sshrl.u32 s31, $0x2;
	v1 =	vmin.u32 v1, v3;
	vm0 =	veq.s32 v2, $0x0  }
0x22: {  	s18 =	sor.u32 s19, s18;
	v1 =	vsel vm0, $0x0, v1  }
0x23: {  	s21 =	simm.s32 $0x10;
	[tilespmem:s18+$0x200] =	vst v1  }
0x24: {  	s20 =	simm.s32 $0x80;
	s19 =	simm.s32 $0x0;
	s18 =	simm.s32 $0x40;
	v1 =	vld [tilespmem:s21+$0x0]  }
.LBB2_2:
0x25: {  	p0 =	sne.s32 s20, $0x3C0;
	v2 =	vld [tilespmem:s21+$0x100];
	_ =	sdelay $0x3  }
0x26: {  	v1 =	vmul.u32 $0x8DD9, v1  }
0x27: {  	v2 =	vmul.u32 $0x6A37, v2  }
0x28: {  	v3 =	vshrl.u32 v1, $0x5  }
0x29: {  	v3 =	vmulhi.u32 $0xA7C5AC5, v3;
	v4 =	vshrl.u32 v2, $0x5  }
0x2a: {  	v4 =	vmulhi.u32 $0xA7C5AC5, v4;
	_ =	sdelay $0x1  }
0x2b: {  	v3 =	vshrl.u32 v3, $0x7;
	v4 =	vshrl.u32 v4, $0x7  }
0x2c: {  	v3 =	vmul.u32 $0x186A0, v3;
	v4 =	vmul.u32 $0x186A0, v4  }
0x2d: {  	s19 =	sadd.s32 $0x10, s19  }
0x2e: {  	s21 =	sadd.s32 s19, s4;
	v1 =	vsub.s32 v1, v3;
	v2 =	vsub.s32 v2, v4  }
0x2f: {  	v1 =	vadd.s32 v1, v2;
	v2 =	vor.u32 s21, v0  }
.Ltmp0:
0x30: {  	s21 =	sand.u32 $0x200, s18;
	s18 =	smov.u32 s20;
	v3 =	vadd.s32 $0xFFFE7960, v1;
	v2 =	vand.u32 $0xFFF, v2;
	(pc) =	sbr.rel @p0 .LBB2_2-.Ltmp0, $4  }
0x31: {  	s22 =	sand.u32 $0x70, s19;
	s21 =	sshrl.u32 s21, $0x2;
	v1 =	vmin.u32 v1, v3;
	vm0 =	veq.s32 v2, $0x0  }
0x32: {  	s22 =	sor.u32 s22, s21;
	v1 =	vsel vm0, $0x0, v1  }
0x33: {  	s21 =	sshra.s32 s20, $0x2;
	[tilespmem:s22+$0x200] =	vst v1  }
0x34: {  	s20 =	sadd.s32 $0x40, s20;
	v1 =	vld [tilespmem:s21+$0x0]  }
0x35: {  	v2 =	vld [tilespmem:s21+$0x100];
	_ =	sdelay $0x3  }
0x36: {  	v1 =	vmul.u32 $0x8DD9, v1  }
0x37: {  	v2 =	vmul.u32 $0x6A37, v2  }
0x38: {  	v3 =	vshrl.u32 v1, $0x5  }
0x39: {  	v3 =	vmulhi.u32 $0xA7C5AC5, v3;
	v4 =	vshrl.u32 v2, $0x5  }
0x3a: {  	v4 =	vmulhi.u32 $0xA7C5AC5, v4;
	_ =	sdelay $0x1  }
0x3b: {  	v3 =	vshrl.u32 v3, $0x7;
	v4 =	vshrl.u32 v4, $0x7  }
0x3c: {  	v3 =	vmul.u32 $0x186A0, v3;
	v4 =	vmul.u32 $0x186A0, v4  }
0x3d: {  	s19 =	sadd.s32 $0x10, s19  }
0x3e: {  	s20 =	sadd.s32 s19, s4;
	v1 =	vsub.s32 v1, v3;
	v2 =	vsub.s32 v2, v4  }
0x3f: {  	v1 =	vadd.s32 v1, v2;
	v2 =	vor.u32 s20, v0  }
0x40: {  	s18 =	sand.u32 $0x200, s18;
	v3 =	vadd.s32 $0xFFFE7960, v1;
	v2 =	vand.u32 $0xFFF, v2  }
0x41: {  	s19 =	sand.u32 $0x70, s19;
	s18 =	sshrl.u32 s18, $0x2;
	v1 =	vmin.u32 v1, v3;
	vm0 =	veq.s32 v2, $0x0  }
0x42: {  	s18 =	sor.u32 s19, s18;
	v1 =	vsel vm0, $0x0, v1  }
0x43: {  	[tilespmem:s18+$0x200] =	vst v1  }
0x44: {  	[tilespmem:s13], [sflag:$0x1] =	stream.indirect.gather [hbm4b:s2+s11], $0x80, s12, s11, $0xb8;
	[tilespmem:$0x8300] =	vst v63  }
0x45: {  	_ =	swait.ge [sflag:s14], $0x4000  }
0x46: {  	[sflag:s14] =	ssyncset.done $0x0  }
0x47: {  	[sflag:s14] =	ssyncadd.s32 $0xFFFFC000  }
0x48: {  	[tilespmem:s16], [sflag:$0x1] =	stream.indirect.gather [hbm4b:s2+s11], $0x80, s15, s11, $0xb8;
	[tilespmem:$0x8300] =	vst v63  }
0x49: {  	s17 =	sadd.s32 $0x1, s17;
	_ =	swait.ge [sflag:s14], $0x4000  }
0x4a: {  	p0 =	sne.s32 s17, s8;
	[sflag:s14] =	ssyncset.done $0x0  }
.Ltmp1:
0x4b: {  	[sflag:s14] =	ssyncadd.s32 $0xFFFFC000;
	(pc) =	sbr.rel @p0 .LBB2_1-.Ltmp1, $4  }
0x4c: {  	[hbm4b:s7+s3] =	stream.linear.scatter [tilespmem:s13], [sflag:$0x2], $0x8000, $0x38;
	[tilespmem:$0x8300] =	vst v63  }
0x4d: {  	_ =	swait.ge [sflag:s9], $0x8000  }
0x4e: {  	[sflag:s9] =	ssyncset.done $0x0  }
0x4f: {  	[sflag:s9] =	ssyncadd.s32 $0xFFFF8000  }
0x50: {  	_ =	sfence.sel $0x180000  }
0x51: {  	[bflag:$0x0] =	sbarrier.arrive $0xFFFF  }
0x52: {  	p0 =	sne.s32 s0, $0x0;
	_ =	strace $0x90000047  }
0x53: {  	s0 =	sadd.s32 @!p0 $0x100000, s1;
	[bflag:$0x2] =	sbarrier.arrive $0xFFFF  }
0x54: {  	[sflag:s0] =	ssyncadd.tile.s32 @!p0 $0x1;
	_ =	shalt  }
.Lfunc_end2:
_tile_overlayer_lowered:
.L_overlay_start_2:
0x55: {  	(tag) =	ssettag $0x2  }
0x56: {  	s0 =	rddreg [dreg:$0x0];
	s2 =	stileid.u32  }
0x57: {  	s1 =	rddreg [dreg:$0x1];
	p0 =	sne.s32 s2, $0x0  }
0x58: {  	s3 =	rddreg [dreg:$0x2];
	[bflag:$0x3] =	sbarrier.arrive $0xFFFF;
	s2 =	simm.s32 @!p0 $0x1C02  }
0x59: {  	[timem:s3], [sflag:s2] =	dma.local @!p0 [hbm:s0], s1  }
0x5a: {  	s0 =	simm.s32 @!p0 $0x2  }
0x5b: {  	_ =	swait.ge @!p0 [sflag:s0], s1  }
0x5c: {  	s1 =	ssub.s32 @!p0 $0x0, s1;
	[sflag:s0] =	ssyncset.done @!p0 $0x0  }
0x5d: {  	[sflag:s0] =	ssyncadd.s32 @!p0 s1  }
0x5e: {  	[bflag:$0x3] =	sbarrier.arrive $0xFFFF  }
0x5f: {  	_ =	shalt  }

</sc_bundles>
